<compile_context>
chip_gen: v7x
topology: tpu7x:2x2x1
jax: 0.10.2.dev20260603
libtpu: 0.0.44.dev20260713+nightly
codegen_flags: <defaults>
</compile_context>

<pallas_src>
import jax
import jax.numpy as jnp
import numpy as np
from jax import lax
from jax.experimental import pallas as pl
from jax.experimental.pallas import tpu as pltpu, tpu_sc as plsc

_TOPK = 100
_THRESH = np.float32(0.5)
_NEG = np.float32(-1e30)
_L = 16
_NS = 16
_BIG = np.int32(1 << 30)


def _nms_body(xth, outh,
              x1v, y1v, x2v, y2v, sv, oscv, pubv, candv, outv, shv, dsem):
    cid = lax.axis_index("c")
    sid = lax.axis_index("s")
    shard = x1v.shape[0]
    nch = shard // _L
    base = sid * shard
    iota = lax.broadcasted_iota(jnp.int32, (_L,), 0)
    zeros_i = jnp.zeros((_L,), jnp.int32)

    copies = [
        pltpu.async_copy(xth.at[0, pl.ds(base, shard)], x1v, dsem),
        pltpu.async_copy(xth.at[1, pl.ds(base, shard)], y1v, dsem),
        pltpu.async_copy(xth.at[2, pl.ds(base, shard)], x2v, dsem),
        pltpu.async_copy(xth.at[3, pl.ds(base, shard)], y2v, dsem),
        pltpu.async_copy(xth.at[4, pl.ds(base, shard)], sv, dsem),
        pltpu.async_copy(xth.at[4, pl.ds(base, shard)], oscv, dsem),
    ]
    for c in copies:
        c.wait()

    def vmax(v):
        for shf in (8, 4, 2, 1):
            p = jnp.take_along_axis(v, iota ^ np.int32(shf), axis=0,
                                    mode="promise_in_bounds")
            v = jnp.maximum(v, p)
        return v

    def vmin_i(v):
        for shf in (8, 4, 2, 1):
            p = jnp.take_along_axis(v, iota ^ np.int32(shf), axis=0,
                                    mode="promise_in_bounds")
            v = jnp.minimum(v, p)
        return v

    def sweep(bx1, by1, bx2, by2, barea):
        def sup_chunk(j, vm):
            sl = pl.ds(j * _L, _L)
            cx1 = x1v[sl]
            cy1 = y1v[sl]
            cx2 = x2v[sl]
            cy2 = y2v[sl]
            cs = sv[sl]
            ca = (cx2 - cx1) * (cy2 - cy1)
            xx1 = jnp.maximum(bx1, cx1)
            yy1 = jnp.maximum(by1, cy1)
            xx2 = jnp.minimum(bx2, cx2)
            yy2 = jnp.minimum(by2, cy2)
            w = jnp.maximum(xx2 - xx1, np.float32(0.0))
            h = jnp.maximum(yy2 - yy1, np.float32(0.0))
            inter = w * h
            denom = barea + ca - inter + np.float32(1e-9)
            sup = (inter + inter) > denom
            ns = jnp.where(sup, _NEG, cs)
            sv[sl] = ns
            return jnp.maximum(vm, ns)

        vm = lax.fori_loop(0, nch, sup_chunk,
                           jnp.full((_L,), -np.float32(np.inf), jnp.float32))
        mv = vmax(vm)

        def idx_chunk(j, iv):
            cs = sv[pl.ds(j * _L, _L)]
            return jnp.minimum(iv, jnp.where(cs == mv, iota + j * _L, _BIG))
        iv = lax.fori_loop(0, nch, idx_chunk, jnp.full((_L,), _BIG, jnp.int32),
                           unroll=16)
        li = vmin_i(iv)
        return mv, li

    def publish(mv, li, buf):
        gx1 = plsc.load_gather(x1v, [li])
        gy1 = plsc.load_gather(y1v, [li])
        gx2 = plsc.load_gather(x2v, [li])
        gy2 = plsc.load_gather(y2v, [li])
        gos = plsc.load_gather(oscv, [li])
        pub = mv
        pub = jnp.where(iota == 1, gx1, pub)
        pub = jnp.where(iota == 2, gy1, pub)
        pub = jnp.where(iota == 3, gx2, pub)
        pub = jnp.where(iota == 4, gy2, pub)
        pub = jnp.where(iota == 5, gos, pub)
        pubv[...] = pub
        pltpu.sync_copy(pubv, shv.at[buf, sid])

    z = jnp.zeros((_L,), jnp.float32)
    mv, li = sweep(z, z, z, z, z)
    publish(mv, li, 0)
    plsc.subcore_barrier()

    def round_body(t, carry):
        buf = lax.rem(t, 2)
        pltpu.sync_copy(shv.at[buf], candv)

        vals = plsc.load_gather(candv, [iota, zeros_i])
        mg = vmax(vals)
        wstar = plsc.all_reduce_ffs(vals == mg)

        def fld(f):
            return plsc.load_gather(candv, [wstar, jnp.full((_L,), f, jnp.int32)])
        bx1 = fld(1)
        by1 = fld(2)
        bx2 = fld(3)
        by2 = fld(4)
        bos = fld(5)
        barea = (bx2 - bx1) * (by2 - by1)

        @pl.when(jnp.logical_and(cid == 0, sid == 0))
        def _():
            row = jnp.where(iota == 0, bx1, jnp.zeros((_L,), jnp.float32))
            row = jnp.where(iota == 1, by1, row)
            row = jnp.where(iota == 2, bx2, row)
            row = jnp.where(iota == 3, by2, row)
            row = jnp.where(iota == 4, bos, row)
            plsc.store_scatter(outv, [jnp.full((_L,), t, jnp.int32), iota], row)

        @pl.when(t < _TOPK - 1)
        def _():
            mv, li = sweep(bx1, by1, bx2, by2, barea)
            publish(mv, li, 1 - buf)
            plsc.subcore_barrier()

        return carry

    lax.fori_loop(0, _TOPK, round_body, np.int32(0))

    @pl.when(jnp.logical_and(cid == 0, sid == 0))
    def _():
        pltpu.sync_copy(outv, outh)


@jax.jit
def kernel(x):
    n = x.shape[0]
    npad = ((n + _L * _NS - 1) // (_L * _NS)) * (_L * _NS)
    shard = npad // _NS
    pad = npad - n
    x = x.astype(jnp.float32)
    padrow = jnp.array([0.0, 0.0, 0.0, 0.0, _NEG], jnp.float32)
    xp = jnp.concatenate([x, jnp.broadcast_to(padrow, (pad, 5))])
    xt = xp.T

    mesh = plsc.VectorSubcoreMesh(core_axis_name="c", subcore_axis_name="s",
                                  num_cores=2, num_subcores=_NS)
    f = pl.kernel(
        _nms_body,
        out_type=jax.ShapeDtypeStruct((_TOPK, _L), jnp.float32),
        mesh=mesh,
        compiler_params=pltpu.CompilerParams(needs_layout_passes=False,
                                             use_tc_tiling_on_sc=False),
        scratch_types=[
            pltpu.VMEM((shard,), jnp.float32),
            pltpu.VMEM((shard,), jnp.float32),
            pltpu.VMEM((shard,), jnp.float32),
            pltpu.VMEM((shard,), jnp.float32),
            pltpu.VMEM((shard,), jnp.float32),
            pltpu.VMEM((shard,), jnp.float32),
            pltpu.VMEM((_L,), jnp.float32),
            pltpu.VMEM((_NS, _L), jnp.float32),
            pltpu.VMEM((_TOPK, _L), jnp.float32),
            pltpu.VMEM_SHARED((2, _NS, _L), jnp.float32),
            pltpu.SemaphoreType.DMA,
        ],
    )
    out16 = f(xt)
    return out16[:, :5]

# --- scband reference (transcript-rebuilt; emitter-appended) ---
"""Pipeline reference for scband-nms-84825604096355 (READ-ONLY COPY).

The authoritative reference and input builder live on the scoring server;
editing this copy changes nothing except your own understanding.
"""

import jax, jax.numpy as jnp
import numpy as np

TOPK = 100
NMS_THRESH = 0.5
N = 20000


def setup_inputs(seed: int = 0) -> dict:
    key = jax.random.key(seed)
    k1, k2, k3 = jax.random.split(key, 3)
    # x is [N, 5]: (x1, y1, x2, y2, score) in standard detection layout
    xy = jax.random.uniform(k1, (N, 2), dtype=jnp.float32) * 1000.0
    wh = jax.random.uniform(k2, (N, 2), dtype=jnp.float32) * 100.0 + 1.0
    scores = jax.random.uniform(k3, (N, 1), dtype=jnp.float32)
    x = jnp.concatenate([xy, xy + wh, scores], axis=1)
    return {"x": x}


def _nms(x, topK, thresh):
    boxes = x[:, :4]
    scores = x[:, 4]
    x1 = boxes[:, 0]
    y1 = boxes[:, 1]
    x2 = boxes[:, 2]
    y2 = boxes[:, 3]
    areas = (x2 - x1) * (y2 - y1)
    NEG = jnp.float32(-1e30)

    def step(s, _):
        best = jnp.argmax(s)
        xx1 = jnp.maximum(x1[best], x1)
        yy1 = jnp.maximum(y1[best], y1)
        xx2 = jnp.minimum(x2[best], x2)
        yy2 = jnp.minimum(y2[best], y2)
        w = jnp.maximum(xx2 - xx1, 0.0)
        h = jnp.maximum(yy2 - yy1, 0.0)
        inter = w * h
        iou = inter / (areas[best] + areas - inter + 1e-9)
        s_new = jnp.where(iou > thresh, NEG, s)
        s_new = s_new.at[best].set(NEG)
        return s_new, best

    _, keep = jax.lax.scan(step, scores, xs=None, length=topK)
    # gather the topK kept detections (boxes + score rows)
    return jnp.take(x, keep, axis=0)


def reference(x):
    return _nms(x, TOPK, NMS_THRESH)

if __name__ == "__main__":
    import jax
    _d = setup_inputs()
    print(jax.jit(kernel)(*tuple(_d.values())))

</pallas_src>

<mosaic_0001>
#map = affine_map<(d0, d1) -> (0, 0)>
module attributes {stable_mosaic.version = 14 : i64} {
  func.func @_nms_body(%arg0: i32, %arg1: i32, %arg2: memref<5x20224xf32, #tpu.memory_space<hbm>>, %arg3: memref<100x16xf32, #tpu.memory_space<hbm>>, %arg4: memref<1264xf32, #tpu.memory_space<vmem>>, %arg5: memref<1264xf32, #tpu.memory_space<vmem>>, %arg6: memref<1264xf32, #tpu.memory_space<vmem>>, %arg7: memref<1264xf32, #tpu.memory_space<vmem>>, %arg8: memref<1264xf32, #tpu.memory_space<vmem>>, %arg9: memref<1264xf32, #tpu.memory_space<vmem>>, %arg10: memref<16xf32, #tpu.memory_space<vmem>>, %arg11: memref<16x16xf32, #tpu.memory_space<vmem>>, %arg12: memref<100x16xf32, #tpu.memory_space<vmem>>, %arg13: memref<2x16x16xf32, #tpu.memory_space<vmem_shared>>, %arg14: memref<!tpu.dma_semaphore, #tpu.memory_space<semaphore_mem>>) attributes {dimension_semantics = [#tpu.dimension_semantics<core_parallel>, #tpu.dimension_semantics<subcore_parallel>], iteration_bounds = array<i64: 2, 16>, scalar_prefetch = 0 : i64, scratch_operands = 11 : i64, tpu.core_type = #tpu.core_type<sc_vector_subcore>, window_params = [{transform_indices = #map}, {transform_indices = #map}]} {
    %mul3A = arith.constant 1264 : i32
    %mul3A_0 = arith.muli %arg1, %mul3A : i32
    %iota3A = tpu.iota {dimensions = array<i32: 0>} : vector<16xi32>
    %broadcast_in_dim3A = arith.constant 0 : i32
    %broadcast_in_dim3A_1 = vector.broadcast %broadcast_in_dim3A : i32 to vector<16xi32>
    %dma_start3A = arith.constant 0 : i32
    %dma_start3A_2 = tpu.memref_slice %arg2[%dma_start3A, %mul3A_0] : memref<5x20224xf32, #tpu.memory_space<hbm>> -> memref<1x1264xf32, #tpu.memory_space<hbm>>
    %dma_start3A_3 = tpu.memref_squeeze %dma_start3A_2 : memref<1x1264xf32, #tpu.memory_space<hbm>> -> memref<1264xf32, #tpu.memory_space<hbm>>
    %dma_start3A_4 = tpu.memref_slice %arg2[%dma_start3A, %mul3A_0] : memref<5x20224xf32, #tpu.memory_space<hbm>> -> memref<1x1264xf32, #tpu.memory_space<hbm>>
    %dma_start3A_5 = tpu.memref_squeeze %dma_start3A_4 : memref<1x1264xf32, #tpu.memory_space<hbm>> -> memref<1264xf32, #tpu.memory_space<hbm>>
    tpu.enqueue_dma source(%dma_start3A_5 : memref<1264xf32, #tpu.memory_space<hbm>>) target(%arg4 : memref<1264xf32, #tpu.memory_space<vmem>>) target_semaphore(%arg14 : memref<!tpu.dma_semaphore, #tpu.memory_space<semaphore_mem>>)
    %dma_start3A_6 = arith.constant 1 : i32
    %dma_start3A_7 = tpu.memref_slice %arg2[%dma_start3A_6, %mul3A_0] : memref<5x20224xf32, #tpu.memory_space<hbm>> -> memref<1x1264xf32, #tpu.memory_space<hbm>>
    %dma_start3A_8 = tpu.memref_squeeze %dma_start3A_7 : memref<1x1264xf32, #tpu.memory_space<hbm>> -> memref<1264xf32, #tpu.memory_space<hbm>>
    %dma_start3A_9 = tpu.memref_slice %arg2[%dma_start3A_6, %mul3A_0] : memref<5x20224xf32, #tpu.memory_space<hbm>> -> memref<1x1264xf32, #tpu.memory_space<hbm>>
    %dma_start3A_10 = tpu.memref_squeeze %dma_start3A_9 : memref<1x1264xf32, #tpu.memory_space<hbm>> -> memref<1264xf32, #tpu.memory_space<hbm>>
    tpu.enqueue_dma source(%dma_start3A_10 : memref<1264xf32, #tpu.memory_space<hbm>>) target(%arg5 : memref<1264xf32, #tpu.memory_space<vmem>>) target_semaphore(%arg14 : memref<!tpu.dma_semaphore, #tpu.memory_space<semaphore_mem>>)
    %dma_start3A_11 = arith.constant 2 : i32
    %dma_start3A_12 = tpu.memref_slice %arg2[%dma_start3A_11, %mul3A_0] : memref<5x20224xf32, #tpu.memory_space<hbm>> -> memref<1x1264xf32, #tpu.memory_space<hbm>>
    %dma_start3A_13 = tpu.memref_squeeze %dma_start3A_12 : memref<1x1264xf32, #tpu.memory_space<hbm>> -> memref<1264xf32, #tpu.memory_space<hbm>>
    %dma_start3A_14 = tpu.memref_slice %arg2[%dma_start3A_11, %mul3A_0] : memref<5x20224xf32, #tpu.memory_space<hbm>> -> memref<1x1264xf32, #tpu.memory_space<hbm>>
    %dma_start3A_15 = tpu.memref_squeeze %dma_start3A_14 : memref<1x1264xf32, #tpu.memory_space<hbm>> -> memref<1264xf32, #tpu.memory_space<hbm>>
    tpu.enqueue_dma source(%dma_start3A_15 : memref<1264xf32, #tpu.memory_space<hbm>>) target(%arg6 : memref<1264xf32, #tpu.memory_space<vmem>>) target_semaphore(%arg14 : memref<!tpu.dma_semaphore, #tpu.memory_space<semaphore_mem>>)
    %dma_start3A_16 = arith.constant 3 : i32
    %dma_start3A_17 = tpu.memref_slice %arg2[%dma_start3A_16, %mul3A_0] : memref<5x20224xf32, #tpu.memory_space<hbm>> -> memref<1x1264xf32, #tpu.memory_space<hbm>>
    %dma_start3A_18 = tpu.memref_squeeze %dma_start3A_17 : memref<1x1264xf32, #tpu.memory_space<hbm>> -> memref<1264xf32, #tpu.memory_space<hbm>>
    %dma_start3A_19 = tpu.memref_slice %arg2[%dma_start3A_16, %mul3A_0] : memref<5x20224xf32, #tpu.memory_space<hbm>> -> memref<1x1264xf32, #tpu.memory_space<hbm>>
    %dma_start3A_20 = tpu.memref_squeeze %dma_start3A_19 : memref<1x1264xf32, #tpu.memory_space<hbm>> -> memref<1264xf32, #tpu.memory_space<hbm>>
    tpu.enqueue_dma source(%dma_start3A_20 : memref<1264xf32, #tpu.memory_space<hbm>>) target(%arg7 : memref<1264xf32, #tpu.memory_space<vmem>>) target_semaphore(%arg14 : memref<!tpu.dma_semaphore, #tpu.memory_space<semaphore_mem>>)
    %dma_start3A_21 = arith.constant 4 : i32
    %dma_start3A_22 = tpu.memref_slice %arg2[%dma_start3A_21, %mul3A_0] : memref<5x20224xf32, #tpu.memory_space<hbm>> -> memref<1x1264xf32, #tpu.memory_space<hbm>>
    %dma_start3A_23 = tpu.memref_squeeze %dma_start3A_22 : memref<1x1264xf32, #tpu.memory_space<hbm>> -> memref<1264xf32, #tpu.memory_space<hbm>>
    %dma_start3A_24 = tpu.memref_slice %arg2[%dma_start3A_21, %mul3A_0] : memref<5x20224xf32, #tpu.memory_space<hbm>> -> memref<1x1264xf32, #tpu.memory_space<hbm>>
    %dma_start3A_25 = tpu.memref_squeeze %dma_start3A_24 : memref<1x1264xf32, #tpu.memory_space<hbm>> -> memref<1264xf32, #tpu.memory_space<hbm>>
    tpu.enqueue_dma source(%dma_start3A_25 : memref<1264xf32, #tpu.memory_space<hbm>>) target(%arg8 : memref<1264xf32, #tpu.memory_space<vmem>>) target_semaphore(%arg14 : memref<!tpu.dma_semaphore, #tpu.memory_space<semaphore_mem>>)
    %dma_start3A_26 = arith.constant 4 : i32
    %dma_start3A_27 = tpu.memref_slice %arg2[%dma_start3A_26, %mul3A_0] : memref<5x20224xf32, #tpu.memory_space<hbm>> -> memref<1x1264xf32, #tpu.memory_space<hbm>>
    %dma_start3A_28 = tpu.memref_squeeze %dma_start3A_27 : memref<1x1264xf32, #tpu.memory_space<hbm>> -> memref<1264xf32, #tpu.memory_space<hbm>>
    %dma_start3A_29 = tpu.memref_slice %arg2[%dma_start3A_26, %mul3A_0] : memref<5x20224xf32, #tpu.memory_space<hbm>> -> memref<1x1264xf32, #tpu.memory_space<hbm>>
    %dma_start3A_30 = tpu.memref_squeeze %dma_start3A_29 : memref<1x1264xf32, #tpu.memory_space<hbm>> -> memref<1264xf32, #tpu.memory_space<hbm>>
    tpu.enqueue_dma source(%dma_start3A_30 : memref<1264xf32, #tpu.memory_space<hbm>>) target(%arg9 : memref<1264xf32, #tpu.memory_space<vmem>>) target_semaphore(%arg14 : memref<!tpu.dma_semaphore, #tpu.memory_space<semaphore_mem>>)
    %dma_wait3A = arith.constant 0 : i32
    %dma_wait3A_31 = tpu.memref_slice %arg2[%dma_wait3A, %mul3A_0] : memref<5x20224xf32, #tpu.memory_space<hbm>> -> memref<1x1264xf32, #tpu.memory_space<hbm>>
    %dma_wait3A_32 = tpu.memref_squeeze %dma_wait3A_31 : memref<1x1264xf32, #tpu.memory_space<hbm>> -> memref<1264xf32, #tpu.memory_space<hbm>>
    %dma_wait3A_33 = tpu.memref_slice %arg2[%dma_wait3A, %mul3A_0] : memref<5x20224xf32, #tpu.memory_space<hbm>> -> memref<1x1264xf32, #tpu.memory_space<hbm>>
    %dma_wait3A_34 = tpu.memref_squeeze %dma_wait3A_33 : memref<1x1264xf32, #tpu.memory_space<hbm>> -> memref<1264xf32, #tpu.memory_space<hbm>>
    tpu.wait_dma2 semaphore(%arg14 : memref<!tpu.dma_semaphore, #tpu.memory_space<semaphore_mem>>) src(%dma_wait3A_34 : memref<1264xf32, #tpu.memory_space<hbm>>) dst(%arg4 : memref<1264xf32, #tpu.memory_space<vmem>>)
    %dma_wait3A_35 = arith.constant 1 : i32
    %dma_wait3A_36 = tpu.memref_slice %arg2[%dma_wait3A_35, %mul3A_0] : memref<5x20224xf32, #tpu.memory_space<hbm>> -> memref<1x1264xf32, #tpu.memory_space<hbm>>
    %dma_wait3A_37 = tpu.memref_squeeze %dma_wait3A_36 : memref<1x1264xf32, #tpu.memory_space<hbm>> -> memref<1264xf32, #tpu.memory_space<hbm>>
    %dma_wait3A_38 = tpu.memref_slice %arg2[%dma_wait3A_35, %mul3A_0] : memref<5x20224xf32, #tpu.memory_space<hbm>> -> memref<1x1264xf32, #tpu.memory_space<hbm>>
    %dma_wait3A_39 = tpu.memref_squeeze %dma_wait3A_38 : memref<1x1264xf32, #tpu.memory_space<hbm>> -> memref<1264xf32, #tpu.memory_space<hbm>>
    tpu.wait_dma2 semaphore(%arg14 : memref<!tpu.dma_semaphore, #tpu.memory_space<semaphore_mem>>) src(%dma_wait3A_39 : memref<1264xf32, #tpu.memory_space<hbm>>) dst(%arg5 : memref<1264xf32, #tpu.memory_space<vmem>>)
    %dma_wait3A_40 = arith.constant 2 : i32
    %dma_wait3A_41 = tpu.memref_slice %arg2[%dma_wait3A_40, %mul3A_0] : memref<5x20224xf32, #tpu.memory_space<hbm>> -> memref<1x1264xf32, #tpu.memory_space<hbm>>
    %dma_wait3A_42 = tpu.memref_squeeze %dma_wait3A_41 : memref<1x1264xf32, #tpu.memory_space<hbm>> -> memref<1264xf32, #tpu.memory_space<hbm>>
    %dma_wait3A_43 = tpu.memref_slice %arg2[%dma_wait3A_40, %mul3A_0] : memref<5x20224xf32, #tpu.memory_space<hbm>> -> memref<1x1264xf32, #tpu.memory_space<hbm>>
    %dma_wait3A_44 = tpu.memref_squeeze %dma_wait3A_43 : memref<1x1264xf32, #tpu.memory_space<hbm>> -> memref<1264xf32, #tpu.memory_space<hbm>>
    tpu.wait_dma2 semaphore(%arg14 : memref<!tpu.dma_semaphore, #tpu.memory_space<semaphore_mem>>) src(%dma_wait3A_44 : memref<1264xf32, #tpu.memory_space<hbm>>) dst(%arg6 : memref<1264xf32, #tpu.memory_space<vmem>>)
    %dma_wait3A_45 = arith.constant 3 : i32
    %dma_wait3A_46 = tpu.memref_slice %arg2[%dma_wait3A_45, %mul3A_0] : memref<5x20224xf32, #tpu.memory_space<hbm>> -> memref<1x1264xf32, #tpu.memory_space<hbm>>
    %dma_wait3A_47 = tpu.memref_squeeze %dma_wait3A_46 : memref<1x1264xf32, #tpu.memory_space<hbm>> -> memref<1264xf32, #tpu.memory_space<hbm>>
    %dma_wait3A_48 = tpu.memref_slice %arg2[%dma_wait3A_45, %mul3A_0] : memref<5x20224xf32, #tpu.memory_space<hbm>> -> memref<1x1264xf32, #tpu.memory_space<hbm>>
    %dma_wait3A_49 = tpu.memref_squeeze %dma_wait3A_48 : memref<1x1264xf32, #tpu.memory_space<hbm>> -> memref<1264xf32, #tpu.memory_space<hbm>>
    tpu.wait_dma2 semaphore(%arg14 : memref<!tpu.dma_semaphore, #tpu.memory_space<semaphore_mem>>) src(%dma_wait3A_49 : memref<1264xf32, #tpu.memory_space<hbm>>) dst(%arg7 : memref<1264xf32, #tpu.memory_space<vmem>>)
    %dma_wait3A_50 = arith.constant 4 : i32
    %dma_wait3A_51 = tpu.memref_slice %arg2[%dma_wait3A_50, %mul3A_0] : memref<5x20224xf32, #tpu.memory_space<hbm>> -> memref<1x1264xf32, #tpu.memory_space<hbm>>
    %dma_wait3A_52 = tpu.memref_squeeze %dma_wait3A_51 : memref<1x1264xf32, #tpu.memory_space<hbm>> -> memref<1264xf32, #tpu.memory_space<hbm>>
    %dma_wait3A_53 = tpu.memref_slice %arg2[%dma_wait3A_50, %mul3A_0] : memref<5x20224xf32, #tpu.memory_space<hbm>> -> memref<1x1264xf32, #tpu.memory_space<hbm>>
    %dma_wait3A_54 = tpu.memref_squeeze %dma_wait3A_53 : memref<1x1264xf32, #tpu.memory_space<hbm>> -> memref<1264xf32, #tpu.memory_space<hbm>>
    tpu.wait_dma2 semaphore(%arg14 : memref<!tpu.dma_semaphore, #tpu.memory_space<semaphore_mem>>) src(%dma_wait3A_54 : memref<1264xf32, #tpu.memory_space<hbm>>) dst(%arg8 : memref<1264xf32, #tpu.memory_space<vmem>>)
    %dma_wait3A_55 = arith.constant 4 : i32
    %dma_wait3A_56 = tpu.memref_slice %arg2[%dma_wait3A_55, %mul3A_0] : memref<5x20224xf32, #tpu.memory_space<hbm>> -> memref<1x1264xf32, #tpu.memory_space<hbm>>
    %dma_wait3A_57 = tpu.memref_squeeze %dma_wait3A_56 : memref<1x1264xf32, #tpu.memory_space<hbm>> -> memref<1264xf32, #tpu.memory_space<hbm>>
    %dma_wait3A_58 = tpu.memref_slice %arg2[%dma_wait3A_55, %mul3A_0] : memref<5x20224xf32, #tpu.memory_space<hbm>> -> memref<1x1264xf32, #tpu.memory_space<hbm>>
    %dma_wait3A_59 = tpu.memref_squeeze %dma_wait3A_58 : memref<1x1264xf32, #tpu.memory_space<hbm>> -> memref<1264xf32, #tpu.memory_space<hbm>>
    tpu.wait_dma2 semaphore(%arg14 : memref<!tpu.dma_semaphore, #tpu.memory_space<semaphore_mem>>) src(%dma_wait3A_59 : memref<1264xf32, #tpu.memory_space<hbm>>) dst(%arg9 : memref<1264xf32, #tpu.memory_space<vmem>>)
    %broadcast_in_dim3A_60 = arith.constant 0.000000e+00 : f32
    %broadcast_in_dim3A_61 = vector.broadcast %broadcast_in_dim3A_60 : f32 to vector<16xf32>
    %broadcast_in_dim3A_62 = arith.constant 0xFF800000 : f32
    %broadcast_in_dim3A_63 = vector.broadcast %broadcast_in_dim3A_62 : f32 to vector<16xf32>
    %scan3A = arith.constant 0 : i32
    %scan3A_64 = arith.constant 79 : i32
    %scan3A_65 = arith.addi %scan3A, %scan3A_64 : i32
    %scan3A_66 = arith.constant 1 : i32
    %scan3A_67 = scf.for %scan3A_385 = %scan3A to %scan3A_65 step %scan3A_66 iter_args(%scan3A_386 = %broadcast_in_dim3A_63) -> (vector<16xf32>)  : i32 {
      %mul3A_387 = arith.constant 16 : i32
      %mul3A_388 = arith.muli %scan3A_385, %mul3A_387 : i32
      %get3A_389 = arith.index_cast %mul3A_388 : i32 to index
      %get3A_390 = tpu.vector_load %arg4[%get3A_389] {strides = array<i32>} : memref<1264xf32, #tpu.memory_space<vmem>>, vector<16xf32>,
      %get3A_391 = arith.index_cast %mul3A_388 : i32 to index
      %get3A_392 = tpu.vector_load %arg5[%get3A_391] {strides = array<i32>} : memref<1264xf32, #tpu.memory_space<vmem>>, vector<16xf32>,
      %get3A_393 = arith.index_cast %mul3A_388 : i32 to index
      %get3A_394 = tpu.vector_load %arg6[%get3A_393] {strides = array<i32>} : memref<1264xf32, #tpu.memory_space<vmem>>, vector<16xf32>,
      %get3A_395 = arith.index_cast %mul3A_388 : i32 to index
      %get3A_396 = tpu.vector_load %arg7[%get3A_395] {strides = array<i32>} : memref<1264xf32, #tpu.memory_space<vmem>>, vector<16xf32>,
      %get3A_397 = arith.index_cast %mul3A_388 : i32 to index
      %get3A_398 = tpu.vector_load %arg8[%get3A_397] {strides = array<i32>} : memref<1264xf32, #tpu.memory_space<vmem>>, vector<16xf32>,
      %sub3A = arith.subf %get3A_394, %get3A_390 : vector<16xf32>
      %sub3A_399 = arith.subf %get3A_396, %get3A_392 : vector<16xf32>
      %mul3A_400 = arith.mulf %sub3A, %sub3A_399 : vector<16xf32>
      %max3A_401 = arith.maximumf %broadcast_in_dim3A_61, %get3A_390 : vector<16xf32>
      %max3A_402 = arith.maximumf %broadcast_in_dim3A_61, %get3A_392 : vector<16xf32>
      %min3A_403 = arith.minimumf %broadcast_in_dim3A_61, %get3A_394 : vector<16xf32>
      %min3A_404 = arith.minimumf %broadcast_in_dim3A_61, %get3A_396 : vector<16xf32>
      %sub3A_405 = arith.subf %min3A_403, %max3A_401 : vector<16xf32>
      %max3A_406 = arith.constant 0.000000e+00 : f32
      %max3A_407 = vector.broadcast %max3A_406 : f32 to vector<16xf32>
      %max3A_408 = arith.maximumf %sub3A_405, %max3A_407 : vector<16xf32>
      %sub3A_409 = arith.subf %min3A_404, %max3A_402 : vector<16xf32>
      %max3A_410 = arith.constant 0.000000e+00 : f32
      %max3A_411 = vector.broadcast %max3A_410 : f32 to vector<16xf32>
      %max3A_412 = arith.maximumf %sub3A_409, %max3A_411 : vector<16xf32>
      %mul3A_413 = arith.mulf %max3A_408, %max3A_412 : vector<16xf32>
      %add3A_414 = arith.addf %broadcast_in_dim3A_61, %mul3A_400 : vector<16xf32>
      %sub3A_415 = arith.subf %add3A_414, %mul3A_413 : vector<16xf32>
      %add3A_416 = arith.constant 9.99999971E-10 : f32
      %add3A_417 = vector.broadcast %add3A_416 : f32 to vector<16xf32>
      %add3A_418 = arith.addf %sub3A_415, %add3A_417 : vector<16xf32>
      %add3A_419 = arith.addf %mul3A_413, %mul3A_413 : vector<16xf32>
      %gt3A = arith.cmpf ogt, %add3A_419, %add3A_418 : vector<16xf32>
      %jit3A_420 = arith.constant -1.000000e+30 : f32
      %broadcast_in_dim3A_421 = vector.broadcast %jit3A_420 : f32 to vector<16xf32>
      %select_n3A_422 = arith.select %gt3A, %broadcast_in_dim3A_421, %get3A_398 : vector<16xi1>, vector<16xf32>
      %swap3A_423 = arith.index_cast %mul3A_388 : i32 to index
      %swap3A_424 = tpu.vector_load %arg8[%swap3A_423] {strides = array<i32>} : memref<1264xf32, #tpu.memory_space<vmem>>, vector<16xf32>,
      tpu.vector_store %arg8[%swap3A_423], %select_n3A_422 {strides = array<i32>} : memref<1264xf32, #tpu.memory_space<vmem>>, vector<16xf32>,
      %max3A_425 = arith.maximumf %scan3A_386, %select_n3A_422 : vector<16xf32>
      scf.yield %max3A_425 : vector<16xf32>
    }
    %scan3A_68 = arith.constant 79 : i32
    %xor3A = arith.constant 8 : i32
    %xor3A_69 = vector.broadcast %xor3A : i32 to vector<16xi32>
    %xor3A_70 = arith.xori %iota3A, %xor3A_69 : vector<16xi32>
    %reshape3A = vector.shape_cast %xor3A_70 : vector<16xi32> to vector<16x1xi32>
    %gather3A = vector.shape_cast %reshape3A : vector<16x1xi32> to vector<16xi32>
    %gather3A_71 = tpu.dynamic_gather %scan3A_67[%gather3A] in [0] : vector<16xf32>, vector<16xi32> -> vector<16xf32>
    %max3A = arith.maximumf %scan3A_67, %gather3A_71 : vector<16xf32>
    %xor3A_72 = arith.constant 4 : i32
    %xor3A_73 = vector.broadcast %xor3A_72 : i32 to vector<16xi32>
    %xor3A_74 = arith.xori %iota3A, %xor3A_73 : vector<16xi32>
    %reshape3A_75 = vector.shape_cast %xor3A_74 : vector<16xi32> to vector<16x1xi32>
    %gather3A_76 = vector.shape_cast %reshape3A_75 : vector<16x1xi32> to vector<16xi32>
    %gather3A_77 = tpu.dynamic_gather %max3A[%gather3A_76] in [0] : vector<16xf32>, vector<16xi32> -> vector<16xf32>
    %max3A_78 = arith.maximumf %max3A, %gather3A_77 : vector<16xf32>
    %xor3A_79 = arith.constant 2 : i32
    %xor3A_80 = vector.broadcast %xor3A_79 : i32 to vector<16xi32>
    %xor3A_81 = arith.xori %iota3A, %xor3A_80 : vector<16xi32>
    %reshape3A_82 = vector.shape_cast %xor3A_81 : vector<16xi32> to vector<16x1xi32>
    %gather3A_83 = vector.shape_cast %reshape3A_82 : vector<16x1xi32> to vector<16xi32>
    %gather3A_84 = tpu.dynamic_gather %max3A_78[%gather3A_83] in [0] : vector<16xf32>, vector<16xi32> -> vector<16xf32>
    %max3A_85 = arith.maximumf %max3A_78, %gather3A_84 : vector<16xf32>
    %xor3A_86 = arith.constant 1 : i32
    %xor3A_87 = vector.broadcast %xor3A_86 : i32 to vector<16xi32>
    %xor3A_88 = arith.xori %iota3A, %xor3A_87 : vector<16xi32>
    %reshape3A_89 = vector.shape_cast %xor3A_88 : vector<16xi32> to vector<16x1xi32>
    %gather3A_90 = vector.shape_cast %reshape3A_89 : vector<16x1xi32> to vector<16xi32>
    %gather3A_91 = tpu.dynamic_gather %max3A_85[%gather3A_90] in [0] : vector<16xf32>, vector<16xi32> -> vector<16xf32>
    %max3A_92 = arith.maximumf %max3A_85, %gather3A_91 : vector<16xf32>
    %broadcast_in_dim3A_93 = arith.constant 1073741824 : i32
    %broadcast_in_dim3A_94 = vector.broadcast %broadcast_in_dim3A_93 : i32 to vector<16xi32>
    %scan3A_95 = arith.constant 0 : i32
    %scan3A_96 = arith.constant 64 : i32
    %scan3A_97 = arith.addi %scan3A_95, %scan3A_96 : i32
    %scan3A_98 = arith.constant 16 : i32
    %scan3A_99 = scf.for %scan3A_385 = %scan3A_95 to %scan3A_97 step %scan3A_98 iter_args(%scan3A_386 = %broadcast_in_dim3A_94) -> (vector<16xi32>)  : i32 {
      %mul3A_387 = arith.constant 16 : i32
      %mul3A_388 = arith.muli %scan3A_385, %mul3A_387 : i32
      %get3A_389 = arith.index_cast %mul3A_388 : i32 to index
      %get3A_390 = tpu.vector_load %arg8[%get3A_389] {strides = array<i32>} : memref<1264xf32, #tpu.memory_space<vmem>>, vector<16xf32>,
      %eq3A_391 = arith.cmpf oeq, %get3A_390, %max3A_92 : vector<16xf32>
      %mul3A_392 = arith.constant 16 : i32
      %mul3A_393 = arith.muli %scan3A_385, %mul3A_392 : i32
      %add3A_394 = vector.broadcast %mul3A_393 : i32 to vector<16xi32>
      %add3A_395 = arith.addi %iota3A, %add3A_394 : vector<16xi32>
      %jit3A_396 = arith.constant 1073741824 : i32
      %broadcast_in_dim3A_397 = vector.broadcast %jit3A_396 : i32 to vector<16xi32>
      %select_n3A_398 = arith.select %eq3A_391, %add3A_395, %broadcast_in_dim3A_397 : vector<16xi1>, vector<16xi32>
      %min3A_399 = arith.minsi %scan3A_386, %select_n3A_398 : vector<16xi32>
      %scan3A_400 = arith.constant 1 : i32
      %scan3A_401 = arith.addi %scan3A_385, %scan3A_400 : i32
      %mul3A_402 = arith.constant 16 : i32
      %mul3A_403 = arith.muli %scan3A_401, %mul3A_402 : i32
      %get3A_404 = arith.index_cast %mul3A_403 : i32 to index
      %get3A_405 = tpu.vector_load %arg8[%get3A_404] {strides = array<i32>} : memref<1264xf32, #tpu.memory_space<vmem>>, vector<16xf32>,
      %eq3A_406 = arith.cmpf oeq, %get3A_405, %max3A_92 : vector<16xf32>
      %mul3A_407 = arith.constant 16 : i32
      %mul3A_408 = arith.muli %scan3A_401, %mul3A_407 : i32
      %add3A_409 = vector.broadcast %mul3A_408 : i32 to vector<16xi32>
      %add3A_410 = arith.addi %iota3A, %add3A_409 : vector<16xi32>
      %jit3A_411 = arith.constant 1073741824 : i32
      %broadcast_in_dim3A_412 = vector.broadcast %jit3A_411 : i32 to vector<16xi32>
      %select_n3A_413 = arith.select %eq3A_406, %add3A_410, %broadcast_in_dim3A_412 : vector<16xi1>, vector<16xi32>
      %min3A_414 = arith.minsi %min3A_399, %select_n3A_413 : vector<16xi32>
      %scan3A_415 = arith.constant 2 : i32
      %scan3A_416 = arith.addi %scan3A_385, %scan3A_415 : i32
      %mul3A_417 = arith.constant 16 : i32
      %mul3A_418 = arith.muli %scan3A_416, %mul3A_417 : i32
      %get3A_419 = arith.index_cast %mul3A_418 : i32 to index
      %get3A_420 = tpu.vector_load %arg8[%get3A_419] {strides = array<i32>} : memref<1264xf32, #tpu.memory_space<vmem>>, vector<16xf32>,
      %eq3A_421 = arith.cmpf oeq, %get3A_420, %max3A_92 : vector<16xf32>
      %mul3A_422 = arith.constant 16 : i32
      %mul3A_423 = arith.muli %scan3A_416, %mul3A_422 : i32
      %add3A_424 = vector.broadcast %mul3A_423 : i32 to vector<16xi32>
      %add3A_425 = arith.addi %iota3A, %add3A_424 : vector<16xi32>
      %jit3A_426 = arith.constant 1073741824 : i32
      %broadcast_in_dim3A_427 = vector.broadcast %jit3A_426 : i32 to vector<16xi32>
      %select_n3A_428 = arith.select %eq3A_421, %add3A_425, %broadcast_in_dim3A_427 : vector<16xi1>, vector<16xi32>
      %min3A_429 = arith.minsi %min3A_414, %select_n3A_428 : vector<16xi32>
      %scan3A_430 = arith.constant 3 : i32
      %scan3A_431 = arith.addi %scan3A_385, %scan3A_430 : i32
      %mul3A_432 = arith.constant 16 : i32
      %mul3A_433 = arith.muli %scan3A_431, %mul3A_432 : i32
      %get3A_434 = arith.index_cast %mul3A_433 : i32 to index
      %get3A_435 = tpu.vector_load %arg8[%get3A_434] {strides = array<i32>} : memref<1264xf32, #tpu.memory_space<vmem>>, vector<16xf32>,
      %eq3A_436 = arith.cmpf oeq, %get3A_435, %max3A_92 : vector<16xf32>
      %mul3A_437 = arith.constant 16 : i32
      %mul3A_438 = arith.muli %scan3A_431, %mul3A_437 : i32
      %add3A_439 = vector.broadcast %mul3A_438 : i32 to vector<16xi32>
      %add3A_440 = arith.addi %iota3A, %add3A_439 : vector<16xi32>
      %jit3A_441 = arith.constant 1073741824 : i32
      %broadcast_in_dim3A_442 = vector.broadcast %jit3A_441 : i32 to vector<16xi32>
      %select_n3A_443 = arith.select %eq3A_436, %add3A_440, %broadcast_in_dim3A_442 : vector<16xi1>, vector<16xi32>
      %min3A_444 = arith.minsi %min3A_429, %select_n3A_443 : vector<16xi32>
      %scan3A_445 = arith.constant 4 : i32
      %scan3A_446 = arith.addi %scan3A_385, %scan3A_445 : i32
      %mul3A_447 = arith.constant 16 : i32
      %mul3A_448 = arith.muli %scan3A_446, %mul3A_447 : i32
      %get3A_449 = arith.index_cast %mul3A_448 : i32 to index
      %get3A_450 = tpu.vector_load %arg8[%get3A_449] {strides = array<i32>} : memref<1264xf32, #tpu.memory_space<vmem>>, vector<16xf32>,
      %eq3A_451 = arith.cmpf oeq, %get3A_450, %max3A_92 : vector<16xf32>
      %mul3A_452 = arith.constant 16 : i32
      %mul3A_453 = arith.muli %scan3A_446, %mul3A_452 : i32
      %add3A_454 = vector.broadcast %mul3A_453 : i32 to vector<16xi32>
      %add3A_455 = arith.addi %iota3A, %add3A_454 : vector<16xi32>
      %jit3A_456 = arith.constant 1073741824 : i32
      %broadcast_in_dim3A_457 = vector.broadcast %jit3A_456 : i32 to vector<16xi32>
      %select_n3A_458 = arith.select %eq3A_451, %add3A_455, %broadcast_in_dim3A_457 : vector<16xi1>, vector<16xi32>
      %min3A_459 = arith.minsi %min3A_444, %select_n3A_458 : vector<16xi32>
      %scan3A_460 = arith.constant 5 : i32
      %scan3A_461 = arith.addi %scan3A_385, %scan3A_460 : i32
      %mul3A_462 = arith.constant 16 : i32
      %mul3A_463 = arith.muli %scan3A_461, %mul3A_462 : i32
      %get3A_464 = arith.index_cast %mul3A_463 : i32 to index
      %get3A_465 = tpu.vector_load %arg8[%get3A_464] {strides = array<i32>} : memref<1264xf32, #tpu.memory_space<vmem>>, vector<16xf32>,
      %eq3A_466 = arith.cmpf oeq, %get3A_465, %max3A_92 : vector<16xf32>
      %mul3A_467 = arith.constant 16 : i32
      %mul3A_468 = arith.muli %scan3A_461, %mul3A_467 : i32
      %add3A_469 = vector.broadcast %mul3A_468 : i32 to vector<16xi32>
      %add3A_470 = arith.addi %iota3A, %add3A_469 : vector<16xi32>
      %jit3A_471 = arith.constant 1073741824 : i32
      %broadcast_in_dim3A_472 = vector.broadcast %jit3A_471 : i32 to vector<16xi32>
      %select_n3A_473 = arith.select %eq3A_466, %add3A_470, %broadcast_in_dim3A_472 : vector<16xi1>, vector<16xi32>
      %min3A_474 = arith.minsi %min3A_459, %select_n3A_473 : vector<16xi32>
      %scan3A_475 = arith.constant 6 : i32
      %scan3A_476 = arith.addi %scan3A_385, %scan3A_475 : i32
      %mul3A_477 = arith.constant 16 : i32
      %mul3A_478 = arith.muli %scan3A_476, %mul3A_477 : i32
      %get3A_479 = arith.index_cast %mul3A_478 : i32 to index
      %get3A_480 = tpu.vector_load %arg8[%get3A_479] {strides = array<i32>} : memref<1264xf32, #tpu.memory_space<vmem>>, vector<16xf32>,
      %eq3A_481 = arith.cmpf oeq, %get3A_480, %max3A_92 : vector<16xf32>
      %mul3A_482 = arith.constant 16 : i32
      %mul3A_483 = arith.muli %scan3A_476, %mul3A_482 : i32
      %add3A_484 = vector.broadcast %mul3A_483 : i32 to vector<16xi32>
      %add3A_485 = arith.addi %iota3A, %add3A_484 : vector<16xi32>
      %jit3A_486 = arith.constant 1073741824 : i32
      %broadcast_in_dim3A_487 = vector.broadcast %jit3A_486 : i32 to vector<16xi32>
      %select_n3A_488 = arith.select %eq3A_481, %add3A_485, %broadcast_in_dim3A_487 : vector<16xi1>, vector<16xi32>
      %min3A_489 = arith.minsi %min3A_474, %select_n3A_488 : vector<16xi32>
      %scan3A_490 = arith.constant 7 : i32
      %scan3A_491 = arith.addi %scan3A_385, %scan3A_490 : i32
      %mul3A_492 = arith.constant 16 : i32
      %mul3A_493 = arith.muli %scan3A_491, %mul3A_492 : i32
      %get3A_494 = arith.index_cast %mul3A_493 : i32 to index
      %get3A_495 = tpu.vector_load %arg8[%get3A_494] {strides = array<i32>} : memref<1264xf32, #tpu.memory_space<vmem>>, vector<16xf32>,
      %eq3A_496 = arith.cmpf oeq, %get3A_495, %max3A_92 : vector<16xf32>
      %mul3A_497 = arith.constant 16 : i32
      %mul3A_498 = arith.muli %scan3A_491, %mul3A_497 : i32
      %add3A_499 = vector.broadcast %mul3A_498 : i32 to vector<16xi32>
      %add3A_500 = arith.addi %iota3A, %add3A_499 : vector<16xi32>
      %jit3A_501 = arith.constant 1073741824 : i32
      %broadcast_in_dim3A_502 = vector.broadcast %jit3A_501 : i32 to vector<16xi32>
      %select_n3A_503 = arith.select %eq3A_496, %add3A_500, %broadcast_in_dim3A_502 : vector<16xi1>, vector<16xi32>
      %min3A_504 = arith.minsi %min3A_489, %select_n3A_503 : vector<16xi32>
      %scan3A_505 = arith.constant 8 : i32
      %scan3A_506 = arith.addi %scan3A_385, %scan3A_505 : i32
      %mul3A_507 = arith.constant 16 : i32
      %mul3A_508 = arith.muli %scan3A_506, %mul3A_507 : i32
      %get3A_509 = arith.index_cast %mul3A_508 : i32 to index
      %get3A_510 = tpu.vector_load %arg8[%get3A_509] {strides = array<i32>} : memref<1264xf32, #tpu.memory_space<vmem>>, vector<16xf32>,
      %eq3A_511 = arith.cmpf oeq, %get3A_510, %max3A_92 : vector<16xf32>
      %mul3A_512 = arith.constant 16 : i32
      %mul3A_513 = arith.muli %scan3A_506, %mul3A_512 : i32
      %add3A_514 = vector.broadcast %mul3A_513 : i32 to vector<16xi32>
      %add3A_515 = arith.addi %iota3A, %add3A_514 : vector<16xi32>
      %jit3A_516 = arith.constant 1073741824 : i32
      %broadcast_in_dim3A_517 = vector.broadcast %jit3A_516 : i32 to vector<16xi32>
      %select_n3A_518 = arith.select %eq3A_511, %add3A_515, %broadcast_in_dim3A_517 : vector<16xi1>, vector<16xi32>
      %min3A_519 = arith.minsi %min3A_504, %select_n3A_518 : vector<16xi32>
      %scan3A_520 = arith.constant 9 : i32
      %scan3A_521 = arith.addi %scan3A_385, %scan3A_520 : i32
      %mul3A_522 = arith.constant 16 : i32
      %mul3A_523 = arith.muli %scan3A_521, %mul3A_522 : i32
      %get3A_524 = arith.index_cast %mul3A_523 : i32 to index
      %get3A_525 = tpu.vector_load %arg8[%get3A_524] {strides = array<i32>} : memref<1264xf32, #tpu.memory_space<vmem>>, vector<16xf32>,
      %eq3A_526 = arith.cmpf oeq, %get3A_525, %max3A_92 : vector<16xf32>
      %mul3A_527 = arith.constant 16 : i32
      %mul3A_528 = arith.muli %scan3A_521, %mul3A_527 : i32
      %add3A_529 = vector.broadcast %mul3A_528 : i32 to vector<16xi32>
      %add3A_530 = arith.addi %iota3A, %add3A_529 : vector<16xi32>
      %jit3A_531 = arith.constant 1073741824 : i32
      %broadcast_in_dim3A_532 = vector.broadcast %jit3A_531 : i32 to vector<16xi32>
      %select_n3A_533 = arith.select %eq3A_526, %add3A_530, %broadcast_in_dim3A_532 : vector<16xi1>, vector<16xi32>
      %min3A_534 = arith.minsi %min3A_519, %select_n3A_533 : vector<16xi32>
      %scan3A_535 = arith.constant 10 : i32
      %scan3A_536 = arith.addi %scan3A_385, %scan3A_535 : i32
      %mul3A_537 = arith.constant 16 : i32
      %mul3A_538 = arith.muli %scan3A_536, %mul3A_537 : i32
      %get3A_539 = arith.index_cast %mul3A_538 : i32 to index
      %get3A_540 = tpu.vector_load %arg8[%get3A_539] {strides = array<i32>} : memref<1264xf32, #tpu.memory_space<vmem>>, vector<16xf32>,
      %eq3A_541 = arith.cmpf oeq, %get3A_540, %max3A_92 : vector<16xf32>
      %mul3A_542 = arith.constant 16 : i32
      %mul3A_543 = arith.muli %scan3A_536, %mul3A_542 : i32
      %add3A_544 = vector.broadcast %mul3A_543 : i32 to vector<16xi32>
      %add3A_545 = arith.addi %iota3A, %add3A_544 : vector<16xi32>
      %jit3A_546 = arith.constant 1073741824 : i32
      %broadcast_in_dim3A_547 = vector.broadcast %jit3A_546 : i32 to vector<16xi32>
      %select_n3A_548 = arith.select %eq3A_541, %add3A_545, %broadcast_in_dim3A_547 : vector<16xi1>, vector<16xi32>
      %min3A_549 = arith.minsi %min3A_534, %select_n3A_548 : vector<16xi32>
      %scan3A_550 = arith.constant 11 : i32
      %scan3A_551 = arith.addi %scan3A_385, %scan3A_550 : i32
      %mul3A_552 = arith.constant 16 : i32
      %mul3A_553 = arith.muli %scan3A_551, %mul3A_552 : i32
      %get3A_554 = arith.index_cast %mul3A_553 : i32 to index
      %get3A_555 = tpu.vector_load %arg8[%get3A_554] {strides = array<i32>} : memref<1264xf32, #tpu.memory_space<vmem>>, vector<16xf32>,
      %eq3A_556 = arith.cmpf oeq, %get3A_555, %max3A_92 : vector<16xf32>
      %mul3A_557 = arith.constant 16 : i32
      %mul3A_558 = arith.muli %scan3A_551, %mul3A_557 : i32
      %add3A_559 = vector.broadcast %mul3A_558 : i32 to vector<16xi32>
      %add3A_560 = arith.addi %iota3A, %add3A_559 : vector<16xi32>
      %jit3A_561 = arith.constant 1073741824 : i32
      %broadcast_in_dim3A_562 = vector.broadcast %jit3A_561 : i32 to vector<16xi32>
      %select_n3A_563 = arith.select %eq3A_556, %add3A_560, %broadcast_in_dim3A_562 : vector<16xi1>, vector<16xi32>
      %min3A_564 = arith.minsi %min3A_549, %select_n3A_563 : vector<16xi32>
      %scan3A_565 = arith.constant 12 : i32
      %scan3A_566 = arith.addi %scan3A_385, %scan3A_565 : i32
      %mul3A_567 = arith.constant 16 : i32
      %mul3A_568 = arith.muli %scan3A_566, %mul3A_567 : i32
      %get3A_569 = arith.index_cast %mul3A_568 : i32 to index
      %get3A_570 = tpu.vector_load %arg8[%get3A_569] {strides = array<i32>} : memref<1264xf32, #tpu.memory_space<vmem>>, vector<16xf32>,
      %eq3A_571 = arith.cmpf oeq, %get3A_570, %max3A_92 : vector<16xf32>
      %mul3A_572 = arith.constant 16 : i32
      %mul3A_573 = arith.muli %scan3A_566, %mul3A_572 : i32
      %add3A_574 = vector.broadcast %mul3A_573 : i32 to vector<16xi32>
      %add3A_575 = arith.addi %iota3A, %add3A_574 : vector<16xi32>
      %jit3A_576 = arith.constant 1073741824 : i32
      %broadcast_in_dim3A_577 = vector.broadcast %jit3A_576 : i32 to vector<16xi32>
      %select_n3A_578 = arith.select %eq3A_571, %add3A_575, %broadcast_in_dim3A_577 : vector<16xi1>, vector<16xi32>
      %min3A_579 = arith.minsi %min3A_564, %select_n3A_578 : vector<16xi32>
      %scan3A_580 = arith.constant 13 : i32
      %scan3A_581 = arith.addi %scan3A_385, %scan3A_580 : i32
      %mul3A_582 = arith.constant 16 : i32
      %mul3A_583 = arith.muli %scan3A_581, %mul3A_582 : i32
      %get3A_584 = arith.index_cast %mul3A_583 : i32 to index
      %get3A_585 = tpu.vector_load %arg8[%get3A_584] {strides = array<i32>} : memref<1264xf32, #tpu.memory_space<vmem>>, vector<16xf32>,
      %eq3A_586 = arith.cmpf oeq, %get3A_585, %max3A_92 : vector<16xf32>
      %mul3A_587 = arith.constant 16 : i32
      %mul3A_588 = arith.muli %scan3A_581, %mul3A_587 : i32
      %add3A_589 = vector.broadcast %mul3A_588 : i32 to vector<16xi32>
      %add3A_590 = arith.addi %iota3A, %add3A_589 : vector<16xi32>
      %jit3A_591 = arith.constant 1073741824 : i32
      %broadcast_in_dim3A_592 = vector.broadcast %jit3A_591 : i32 to vector<16xi32>
      %select_n3A_593 = arith.select %eq3A_586, %add3A_590, %broadcast_in_dim3A_592 : vector<16xi1>, vector<16xi32>
      %min3A_594 = arith.minsi %min3A_579, %select_n3A_593 : vector<16xi32>
      %scan3A_595 = arith.constant 14 : i32
      %scan3A_596 = arith.addi %scan3A_385, %scan3A_595 : i32
      %mul3A_597 = arith.constant 16 : i32
      %mul3A_598 = arith.muli %scan3A_596, %mul3A_597 : i32
      %get3A_599 = arith.index_cast %mul3A_598 : i32 to index
      %get3A_600 = tpu.vector_load %arg8[%get3A_599] {strides = array<i32>} : memref<1264xf32, #tpu.memory_space<vmem>>, vector<16xf32>,
      %eq3A_601 = arith.cmpf oeq, %get3A_600, %max3A_92 : vector<16xf32>
      %mul3A_602 = arith.constant 16 : i32
      %mul3A_603 = arith.muli %scan3A_596, %mul3A_602 : i32
      %add3A_604 = vector.broadcast %mul3A_603 : i32 to vector<16xi32>
      %add3A_605 = arith.addi %iota3A, %add3A_604 : vector<16xi32>
      %jit3A_606 = arith.constant 1073741824 : i32
      %broadcast_in_dim3A_607 = vector.broadcast %jit3A_606 : i32 to vector<16xi32>
      %select_n3A_608 = arith.select %eq3A_601, %add3A_605, %broadcast_in_dim3A_607 : vector<16xi1>, vector<16xi32>
      %min3A_609 = arith.minsi %min3A_594, %select_n3A_608 : vector<16xi32>
      %scan3A_610 = arith.constant 15 : i32
      %scan3A_611 = arith.addi %scan3A_385, %scan3A_610 : i32
      %mul3A_612 = arith.constant 16 : i32
      %mul3A_613 = arith.muli %scan3A_611, %mul3A_612 : i32
      %get3A_614 = arith.index_cast %mul3A_613 : i32 to index
      %get3A_615 = tpu.vector_load %arg8[%get3A_614] {strides = array<i32>} : memref<1264xf32, #tpu.memory_space<vmem>>, vector<16xf32>,
      %eq3A_616 = arith.cmpf oeq, %get3A_615, %max3A_92 : vector<16xf32>
      %mul3A_617 = arith.constant 16 : i32
      %mul3A_618 = arith.muli %scan3A_611, %mul3A_617 : i32
      %add3A_619 = vector.broadcast %mul3A_618 : i32 to vector<16xi32>
      %add3A_620 = arith.addi %iota3A, %add3A_619 : vector<16xi32>
      %jit3A_621 = arith.constant 1073741824 : i32
      %broadcast_in_dim3A_622 = vector.broadcast %jit3A_621 : i32 to vector<16xi32>
      %select_n3A_623 = arith.select %eq3A_616, %add3A_620, %broadcast_in_dim3A_622 : vector<16xi1>, vector<16xi32>
      %min3A_624 = arith.minsi %min3A_609, %select_n3A_623 : vector<16xi32>
      scf.yield %min3A_624 : vector<16xi32>
    }
    %scan3A_100 = arith.constant 64 : i32
    %scan3A_101 = arith.addi %scan3A_95, %scan3A_100 : i32
    %mul3A_102 = arith.constant 16 : i32
    %mul3A_103 = arith.muli %scan3A_101, %mul3A_102 : i32
    %get3A = arith.index_cast %mul3A_103 : i32 to index
    %get3A_104 = tpu.vector_load %arg8[%get3A] {strides = array<i32>} : memref<1264xf32, #tpu.memory_space<vmem>>, vector<16xf32>,
    %eq3A = arith.cmpf oeq, %get3A_104, %max3A_92 : vector<16xf32>
    %mul3A_105 = arith.constant 16 : i32
    %mul3A_106 = arith.muli %scan3A_101, %mul3A_105 : i32
    %add3A = vector.broadcast %mul3A_106 : i32 to vector<16xi32>
    %add3A_107 = arith.addi %iota3A, %add3A : vector<16xi32>
    %jit3A = arith.constant 1073741824 : i32
    %broadcast_in_dim3A_108 = vector.broadcast %jit3A : i32 to vector<16xi32>
    %select_n3A = arith.select %eq3A, %add3A_107, %broadcast_in_dim3A_108 : vector<16xi1>, vector<16xi32>
    %min3A = arith.minsi %scan3A_99, %select_n3A : vector<16xi32>
    %scan3A_109 = arith.constant 65 : i32
    %scan3A_110 = arith.addi %scan3A_95, %scan3A_109 : i32
    %mul3A_111 = arith.constant 16 : i32
    %mul3A_112 = arith.muli %scan3A_110, %mul3A_111 : i32
    %get3A_113 = arith.index_cast %mul3A_112 : i32 to index
    %get3A_114 = tpu.vector_load %arg8[%get3A_113] {strides = array<i32>} : memref<1264xf32, #tpu.memory_space<vmem>>, vector<16xf32>,
    %eq3A_115 = arith.cmpf oeq, %get3A_114, %max3A_92 : vector<16xf32>
    %mul3A_116 = arith.constant 16 : i32
    %mul3A_117 = arith.muli %scan3A_110, %mul3A_116 : i32
    %add3A_118 = vector.broadcast %mul3A_117 : i32 to vector<16xi32>
    %add3A_119 = arith.addi %iota3A, %add3A_118 : vector<16xi32>
    %jit3A_120 = arith.constant 1073741824 : i32
    %broadcast_in_dim3A_121 = vector.broadcast %jit3A_120 : i32 to vector<16xi32>
    %select_n3A_122 = arith.select %eq3A_115, %add3A_119, %broadcast_in_dim3A_121 : vector<16xi1>, vector<16xi32>
    %min3A_123 = arith.minsi %min3A, %select_n3A_122 : vector<16xi32>
    %scan3A_124 = arith.constant 66 : i32
    %scan3A_125 = arith.addi %scan3A_95, %scan3A_124 : i32
    %mul3A_126 = arith.constant 16 : i32
    %mul3A_127 = arith.muli %scan3A_125, %mul3A_126 : i32
    %get3A_128 = arith.index_cast %mul3A_127 : i32 to index
    %get3A_129 = tpu.vector_load %arg8[%get3A_128] {strides = array<i32>} : memref<1264xf32, #tpu.memory_space<vmem>>, vector<16xf32>,
    %eq3A_130 = arith.cmpf oeq, %get3A_129, %max3A_92 : vector<16xf32>
    %mul3A_131 = arith.constant 16 : i32
    %mul3A_132 = arith.muli %scan3A_125, %mul3A_131 : i32
    %add3A_133 = vector.broadcast %mul3A_132 : i32 to vector<16xi32>
    %add3A_134 = arith.addi %iota3A, %add3A_133 : vector<16xi32>
    %jit3A_135 = arith.constant 1073741824 : i32
    %broadcast_in_dim3A_136 = vector.broadcast %jit3A_135 : i32 to vector<16xi32>
    %select_n3A_137 = arith.select %eq3A_130, %add3A_134, %broadcast_in_dim3A_136 : vector<16xi1>, vector<16xi32>
    %min3A_138 = arith.minsi %min3A_123, %select_n3A_137 : vector<16xi32>
    %scan3A_139 = arith.constant 67 : i32
    %scan3A_140 = arith.addi %scan3A_95, %scan3A_139 : i32
    %mul3A_141 = arith.constant 16 : i32
    %mul3A_142 = arith.muli %scan3A_140, %mul3A_141 : i32
    %get3A_143 = arith.index_cast %mul3A_142 : i32 to index
    %get3A_144 = tpu.vector_load %arg8[%get3A_143] {strides = array<i32>} : memref<1264xf32, #tpu.memory_space<vmem>>, vector<16xf32>,
    %eq3A_145 = arith.cmpf oeq, %get3A_144, %max3A_92 : vector<16xf32>
    %mul3A_146 = arith.constant 16 : i32
    %mul3A_147 = arith.muli %scan3A_140, %mul3A_146 : i32
    %add3A_148 = vector.broadcast %mul3A_147 : i32 to vector<16xi32>
    %add3A_149 = arith.addi %iota3A, %add3A_148 : vector<16xi32>
    %jit3A_150 = arith.constant 1073741824 : i32
    %broadcast_in_dim3A_151 = vector.broadcast %jit3A_150 : i32 to vector<16xi32>
    %select_n3A_152 = arith.select %eq3A_145, %add3A_149, %broadcast_in_dim3A_151 : vector<16xi1>, vector<16xi32>
    %min3A_153 = arith.minsi %min3A_138, %select_n3A_152 : vector<16xi32>
    %scan3A_154 = arith.constant 68 : i32
    %scan3A_155 = arith.addi %scan3A_95, %scan3A_154 : i32
    %mul3A_156 = arith.constant 16 : i32
    %mul3A_157 = arith.muli %scan3A_155, %mul3A_156 : i32
    %get3A_158 = arith.index_cast %mul3A_157 : i32 to index
    %get3A_159 = tpu.vector_load %arg8[%get3A_158] {strides = array<i32>} : memref<1264xf32, #tpu.memory_space<vmem>>, vector<16xf32>,
    %eq3A_160 = arith.cmpf oeq, %get3A_159, %max3A_92 : vector<16xf32>
    %mul3A_161 = arith.constant 16 : i32
    %mul3A_162 = arith.muli %scan3A_155, %mul3A_161 : i32
    %add3A_163 = vector.broadcast %mul3A_162 : i32 to vector<16xi32>
    %add3A_164 = arith.addi %iota3A, %add3A_163 : vector<16xi32>
    %jit3A_165 = arith.constant 1073741824 : i32
    %broadcast_in_dim3A_166 = vector.broadcast %jit3A_165 : i32 to vector<16xi32>
    %select_n3A_167 = arith.select %eq3A_160, %add3A_164, %broadcast_in_dim3A_166 : vector<16xi1>, vector<16xi32>
    %min3A_168 = arith.minsi %min3A_153, %select_n3A_167 : vector<16xi32>
    %scan3A_169 = arith.constant 69 : i32
    %scan3A_170 = arith.addi %scan3A_95, %scan3A_169 : i32
    %mul3A_171 = arith.constant 16 : i32
    %mul3A_172 = arith.muli %scan3A_170, %mul3A_171 : i32
    %get3A_173 = arith.index_cast %mul3A_172 : i32 to index
    %get3A_174 = tpu.vector_load %arg8[%get3A_173] {strides = array<i32>} : memref<1264xf32, #tpu.memory_space<vmem>>, vector<16xf32>,
    %eq3A_175 = arith.cmpf oeq, %get3A_174, %max3A_92 : vector<16xf32>
    %mul3A_176 = arith.constant 16 : i32
    %mul3A_177 = arith.muli %scan3A_170, %mul3A_176 : i32
    %add3A_178 = vector.broadcast %mul3A_177 : i32 to vector<16xi32>
    %add3A_179 = arith.addi %iota3A, %add3A_178 : vector<16xi32>
    %jit3A_180 = arith.constant 1073741824 : i32
    %broadcast_in_dim3A_181 = vector.broadcast %jit3A_180 : i32 to vector<16xi32>
    %select_n3A_182 = arith.select %eq3A_175, %add3A_179, %broadcast_in_dim3A_181 : vector<16xi1>, vector<16xi32>
    %min3A_183 = arith.minsi %min3A_168, %select_n3A_182 : vector<16xi32>
    %scan3A_184 = arith.constant 70 : i32
    %scan3A_185 = arith.addi %scan3A_95, %scan3A_184 : i32
    %mul3A_186 = arith.constant 16 : i32
    %mul3A_187 = arith.muli %scan3A_185, %mul3A_186 : i32
    %get3A_188 = arith.index_cast %mul3A_187 : i32 to index
    %get3A_189 = tpu.vector_load %arg8[%get3A_188] {strides = array<i32>} : memref<1264xf32, #tpu.memory_space<vmem>>, vector<16xf32>,
    %eq3A_190 = arith.cmpf oeq, %get3A_189, %max3A_92 : vector<16xf32>
    %mul3A_191 = arith.constant 16 : i32
    %mul3A_192 = arith.muli %scan3A_185, %mul3A_191 : i32
    %add3A_193 = vector.broadcast %mul3A_192 : i32 to vector<16xi32>
    %add3A_194 = arith.addi %iota3A, %add3A_193 : vector<16xi32>
    %jit3A_195 = arith.constant 1073741824 : i32
    %broadcast_in_dim3A_196 = vector.broadcast %jit3A_195 : i32 to vector<16xi32>
    %select_n3A_197 = arith.select %eq3A_190, %add3A_194, %broadcast_in_dim3A_196 : vector<16xi1>, vector<16xi32>
    %min3A_198 = arith.minsi %min3A_183, %select_n3A_197 : vector<16xi32>
    %scan3A_199 = arith.constant 71 : i32
    %scan3A_200 = arith.addi %scan3A_95, %scan3A_199 : i32
    %mul3A_201 = arith.constant 16 : i32
    %mul3A_202 = arith.muli %scan3A_200, %mul3A_201 : i32
    %get3A_203 = arith.index_cast %mul3A_202 : i32 to index
    %get3A_204 = tpu.vector_load %arg8[%get3A_203] {strides = array<i32>} : memref<1264xf32, #tpu.memory_space<vmem>>, vector<16xf32>,
    %eq3A_205 = arith.cmpf oeq, %get3A_204, %max3A_92 : vector<16xf32>
    %mul3A_206 = arith.constant 16 : i32
    %mul3A_207 = arith.muli %scan3A_200, %mul3A_206 : i32
    %add3A_208 = vector.broadcast %mul3A_207 : i32 to vector<16xi32>
    %add3A_209 = arith.addi %iota3A, %add3A_208 : vector<16xi32>
    %jit3A_210 = arith.constant 1073741824 : i32
    %broadcast_in_dim3A_211 = vector.broadcast %jit3A_210 : i32 to vector<16xi32>
    %select_n3A_212 = arith.select %eq3A_205, %add3A_209, %broadcast_in_dim3A_211 : vector<16xi1>, vector<16xi32>
    %min3A_213 = arith.minsi %min3A_198, %select_n3A_212 : vector<16xi32>
    %scan3A_214 = arith.constant 72 : i32
    %scan3A_215 = arith.addi %scan3A_95, %scan3A_214 : i32
    %mul3A_216 = arith.constant 16 : i32
    %mul3A_217 = arith.muli %scan3A_215, %mul3A_216 : i32
    %get3A_218 = arith.index_cast %mul3A_217 : i32 to index
    %get3A_219 = tpu.vector_load %arg8[%get3A_218] {strides = array<i32>} : memref<1264xf32, #tpu.memory_space<vmem>>, vector<16xf32>,
    %eq3A_220 = arith.cmpf oeq, %get3A_219, %max3A_92 : vector<16xf32>
    %mul3A_221 = arith.constant 16 : i32
    %mul3A_222 = arith.muli %scan3A_215, %mul3A_221 : i32
    %add3A_223 = vector.broadcast %mul3A_222 : i32 to vector<16xi32>
    %add3A_224 = arith.addi %iota3A, %add3A_223 : vector<16xi32>
    %jit3A_225 = arith.constant 1073741824 : i32
    %broadcast_in_dim3A_226 = vector.broadcast %jit3A_225 : i32 to vector<16xi32>
    %select_n3A_227 = arith.select %eq3A_220, %add3A_224, %broadcast_in_dim3A_226 : vector<16xi1>, vector<16xi32>
    %min3A_228 = arith.minsi %min3A_213, %select_n3A_227 : vector<16xi32>
    %scan3A_229 = arith.constant 73 : i32
    %scan3A_230 = arith.addi %scan3A_95, %scan3A_229 : i32
    %mul3A_231 = arith.constant 16 : i32
    %mul3A_232 = arith.muli %scan3A_230, %mul3A_231 : i32
    %get3A_233 = arith.index_cast %mul3A_232 : i32 to index
    %get3A_234 = tpu.vector_load %arg8[%get3A_233] {strides = array<i32>} : memref<1264xf32, #tpu.memory_space<vmem>>, vector<16xf32>,
    %eq3A_235 = arith.cmpf oeq, %get3A_234, %max3A_92 : vector<16xf32>
    %mul3A_236 = arith.constant 16 : i32
    %mul3A_237 = arith.muli %scan3A_230, %mul3A_236 : i32
    %add3A_238 = vector.broadcast %mul3A_237 : i32 to vector<16xi32>
    %add3A_239 = arith.addi %iota3A, %add3A_238 : vector<16xi32>
    %jit3A_240 = arith.constant 1073741824 : i32
    %broadcast_in_dim3A_241 = vector.broadcast %jit3A_240 : i32 to vector<16xi32>
    %select_n3A_242 = arith.select %eq3A_235, %add3A_239, %broadcast_in_dim3A_241 : vector<16xi1>, vector<16xi32>
    %min3A_243 = arith.minsi %min3A_228, %select_n3A_242 : vector<16xi32>
    %scan3A_244 = arith.constant 74 : i32
    %scan3A_245 = arith.addi %scan3A_95, %scan3A_244 : i32
    %mul3A_246 = arith.constant 16 : i32
    %mul3A_247 = arith.muli %scan3A_245, %mul3A_246 : i32
    %get3A_248 = arith.index_cast %mul3A_247 : i32 to index
    %get3A_249 = tpu.vector_load %arg8[%get3A_248] {strides = array<i32>} : memref<1264xf32, #tpu.memory_space<vmem>>, vector<16xf32>,
    %eq3A_250 = arith.cmpf oeq, %get3A_249, %max3A_92 : vector<16xf32>
    %mul3A_251 = arith.constant 16 : i32
    %mul3A_252 = arith.muli %scan3A_245, %mul3A_251 : i32
    %add3A_253 = vector.broadcast %mul3A_252 : i32 to vector<16xi32>
    %add3A_254 = arith.addi %iota3A, %add3A_253 : vector<16xi32>
    %jit3A_255 = arith.constant 1073741824 : i32
    %broadcast_in_dim3A_256 = vector.broadcast %jit3A_255 : i32 to vector<16xi32>
    %select_n3A_257 = arith.select %eq3A_250, %add3A_254, %broadcast_in_dim3A_256 : vector<16xi1>, vector<16xi32>
    %min3A_258 = arith.minsi %min3A_243, %select_n3A_257 : vector<16xi32>
    %scan3A_259 = arith.constant 75 : i32
    %scan3A_260 = arith.addi %scan3A_95, %scan3A_259 : i32
    %mul3A_261 = arith.constant 16 : i32
    %mul3A_262 = arith.muli %scan3A_260, %mul3A_261 : i32
    %get3A_263 = arith.index_cast %mul3A_262 : i32 to index
    %get3A_264 = tpu.vector_load %arg8[%get3A_263] {strides = array<i32>} : memref<1264xf32, #tpu.memory_space<vmem>>, vector<16xf32>,
    %eq3A_265 = arith.cmpf oeq, %get3A_264, %max3A_92 : vector<16xf32>
    %mul3A_266 = arith.constant 16 : i32
    %mul3A_267 = arith.muli %scan3A_260, %mul3A_266 : i32
    %add3A_268 = vector.broadcast %mul3A_267 : i32 to vector<16xi32>
    %add3A_269 = arith.addi %iota3A, %add3A_268 : vector<16xi32>
    %jit3A_270 = arith.constant 1073741824 : i32
    %broadcast_in_dim3A_271 = vector.broadcast %jit3A_270 : i32 to vector<16xi32>
    %select_n3A_272 = arith.select %eq3A_265, %add3A_269, %broadcast_in_dim3A_271 : vector<16xi1>, vector<16xi32>
    %min3A_273 = arith.minsi %min3A_258, %select_n3A_272 : vector<16xi32>
    %scan3A_274 = arith.constant 76 : i32
    %scan3A_275 = arith.addi %scan3A_95, %scan3A_274 : i32
    %mul3A_276 = arith.constant 16 : i32
    %mul3A_277 = arith.muli %scan3A_275, %mul3A_276 : i32
    %get3A_278 = arith.index_cast %mul3A_277 : i32 to index
    %get3A_279 = tpu.vector_load %arg8[%get3A_278] {strides = array<i32>} : memref<1264xf32, #tpu.memory_space<vmem>>, vector<16xf32>,
    %eq3A_280 = arith.cmpf oeq, %get3A_279, %max3A_92 : vector<16xf32>
    %mul3A_281 = arith.constant 16 : i32
    %mul3A_282 = arith.muli %scan3A_275, %mul3A_281 : i32
    %add3A_283 = vector.broadcast %mul3A_282 : i32 to vector<16xi32>
    %add3A_284 = arith.addi %iota3A, %add3A_283 : vector<16xi32>
    %jit3A_285 = arith.constant 1073741824 : i32
    %broadcast_in_dim3A_286 = vector.broadcast %jit3A_285 : i32 to vector<16xi32>
    %select_n3A_287 = arith.select %eq3A_280, %add3A_284, %broadcast_in_dim3A_286 : vector<16xi1>, vector<16xi32>
    %min3A_288 = arith.minsi %min3A_273, %select_n3A_287 : vector<16xi32>
    %scan3A_289 = arith.constant 77 : i32
    %scan3A_290 = arith.addi %scan3A_95, %scan3A_289 : i32
    %mul3A_291 = arith.constant 16 : i32
    %mul3A_292 = arith.muli %scan3A_290, %mul3A_291 : i32
    %get3A_293 = arith.index_cast %mul3A_292 : i32 to index
    %get3A_294 = tpu.vector_load %arg8[%get3A_293] {strides = array<i32>} : memref<1264xf32, #tpu.memory_space<vmem>>, vector<16xf32>,
    %eq3A_295 = arith.cmpf oeq, %get3A_294, %max3A_92 : vector<16xf32>
    %mul3A_296 = arith.constant 16 : i32
    %mul3A_297 = arith.muli %scan3A_290, %mul3A_296 : i32
    %add3A_298 = vector.broadcast %mul3A_297 : i32 to vector<16xi32>
    %add3A_299 = arith.addi %iota3A, %add3A_298 : vector<16xi32>
    %jit3A_300 = arith.constant 1073741824 : i32
    %broadcast_in_dim3A_301 = vector.broadcast %jit3A_300 : i32 to vector<16xi32>
    %select_n3A_302 = arith.select %eq3A_295, %add3A_299, %broadcast_in_dim3A_301 : vector<16xi1>, vector<16xi32>
    %min3A_303 = arith.minsi %min3A_288, %select_n3A_302 : vector<16xi32>
    %scan3A_304 = arith.constant 78 : i32
    %scan3A_305 = arith.addi %scan3A_95, %scan3A_304 : i32
    %mul3A_306 = arith.constant 16 : i32
    %mul3A_307 = arith.muli %scan3A_305, %mul3A_306 : i32
    %get3A_308 = arith.index_cast %mul3A_307 : i32 to index
    %get3A_309 = tpu.vector_load %arg8[%get3A_308] {strides = array<i32>} : memref<1264xf32, #tpu.memory_space<vmem>>, vector<16xf32>,
    %eq3A_310 = arith.cmpf oeq, %get3A_309, %max3A_92 : vector<16xf32>
    %mul3A_311 = arith.constant 16 : i32
    %mul3A_312 = arith.muli %scan3A_305, %mul3A_311 : i32
    %add3A_313 = vector.broadcast %mul3A_312 : i32 to vector<16xi32>
    %add3A_314 = arith.addi %iota3A, %add3A_313 : vector<16xi32>
    %jit3A_315 = arith.constant 1073741824 : i32
    %broadcast_in_dim3A_316 = vector.broadcast %jit3A_315 : i32 to vector<16xi32>
    %select_n3A_317 = arith.select %eq3A_310, %add3A_314, %broadcast_in_dim3A_316 : vector<16xi1>, vector<16xi32>
    %min3A_318 = arith.minsi %min3A_303, %select_n3A_317 : vector<16xi32>
    %scan3A_319 = arith.constant 79 : i32
    %xor3A_320 = arith.constant 8 : i32
    %xor3A_321 = vector.broadcast %xor3A_320 : i32 to vector<16xi32>
    %xor3A_322 = arith.xori %iota3A, %xor3A_321 : vector<16xi32>
    %reshape3A_323 = vector.shape_cast %xor3A_322 : vector<16xi32> to vector<16x1xi32>
    %gather3A_324 = vector.shape_cast %reshape3A_323 : vector<16x1xi32> to vector<16xi32>
    %gather3A_325 = tpu.dynamic_gather %min3A_318[%gather3A_324] in [0] : vector<16xi32>, vector<16xi32> -> vector<16xi32>
    %min3A_326 = arith.minsi %min3A_318, %gather3A_325 : vector<16xi32>
    %xor3A_327 = arith.constant 4 : i32
    %xor3A_328 = vector.broadcast %xor3A_327 : i32 to vector<16xi32>
    %xor3A_329 = arith.xori %iota3A, %xor3A_328 : vector<16xi32>
    %reshape3A_330 = vector.shape_cast %xor3A_329 : vector<16xi32> to vector<16x1xi32>
    %gather3A_331 = vector.shape_cast %reshape3A_330 : vector<16x1xi32> to vector<16xi32>
    %gather3A_332 = tpu.dynamic_gather %min3A_326[%gather3A_331] in [0] : vector<16xi32>, vector<16xi32> -> vector<16xi32>
    %min3A_333 = arith.minsi %min3A_326, %gather3A_332 : vector<16xi32>
    %xor3A_334 = arith.constant 2 : i32
    %xor3A_335 = vector.broadcast %xor3A_334 : i32 to vector<16xi32>
    %xor3A_336 = arith.xori %iota3A, %xor3A_335 : vector<16xi32>
    %reshape3A_337 = vector.shape_cast %xor3A_336 : vector<16xi32> to vector<16x1xi32>
    %gather3A_338 = vector.shape_cast %reshape3A_337 : vector<16x1xi32> to vector<16xi32>
    %gather3A_339 = tpu.dynamic_gather %min3A_333[%gather3A_338] in [0] : vector<16xi32>, vector<16xi32> -> vector<16xi32>
    %min3A_340 = arith.minsi %min3A_333, %gather3A_339 : vector<16xi32>
    %xor3A_341 = arith.constant 1 : i32
    %xor3A_342 = vector.broadcast %xor3A_341 : i32 to vector<16xi32>
    %xor3A_343 = arith.xori %iota3A, %xor3A_342 : vector<16xi32>
    %reshape3A_344 = vector.shape_cast %xor3A_343 : vector<16xi32> to vector<16x1xi32>
    %gather3A_345 = vector.shape_cast %reshape3A_344 : vector<16x1xi32> to vector<16xi32>
    %gather3A_346 = tpu.dynamic_gather %min3A_340[%gather3A_345] in [0] : vector<16xi32>, vector<16xi32> -> vector<16xi32>
    %min3A_347 = arith.minsi %min3A_340, %gather3A_346 : vector<16xi32>
    %gather3A_348 = tpu.vector_load_idx %arg4[%min3A_347] : memref<1264xf32, #tpu.memory_space<vmem>>[vector<16xi32>], vector<16xf32>,
    %gather3A_349 = tpu.vector_load_idx %arg5[%min3A_347] : memref<1264xf32, #tpu.memory_space<vmem>>[vector<16xi32>], vector<16xf32>,
    %gather3A_350 = tpu.vector_load_idx %arg6[%min3A_347] : memref<1264xf32, #tpu.memory_space<vmem>>[vector<16xi32>], vector<16xf32>,
    %gather3A_351 = tpu.vector_load_idx %arg7[%min3A_347] : memref<1264xf32, #tpu.memory_space<vmem>>[vector<16xi32>], vector<16xf32>,
    %gather3A_352 = tpu.vector_load_idx %arg9[%min3A_347] : memref<1264xf32, #tpu.memory_space<vmem>>[vector<16xi32>], vector<16xf32>,
    %eq3A_353 = arith.constant 1 : i32
    %eq3A_354 = vector.broadcast %eq3A_353 : i32 to vector<16xi32>
    %eq3A_355 = arith.cmpi eq, %iota3A, %eq3A_354 : vector<16xi32>
    %select_n3A_356 = arith.select %eq3A_355, %gather3A_348, %max3A_92 : vector<16xi1>, vector<16xf32>
    %eq3A_357 = arith.constant 2 : i32
    %eq3A_358 = vector.broadcast %eq3A_357 : i32 to vector<16xi32>
    %eq3A_359 = arith.cmpi eq, %iota3A, %eq3A_358 : vector<16xi32>
    %select_n3A_360 = arith.select %eq3A_359, %gather3A_349, %select_n3A_356 : vector<16xi1>, vector<16xf32>
    %eq3A_361 = arith.constant 3 : i32
    %eq3A_362 = vector.broadcast %eq3A_361 : i32 to vector<16xi32>
    %eq3A_363 = arith.cmpi eq, %iota3A, %eq3A_362 : vector<16xi32>
    %select_n3A_364 = arith.select %eq3A_363, %gather3A_350, %select_n3A_360 : vector<16xi1>, vector<16xf32>
    %eq3A_365 = arith.constant 4 : i32
    %eq3A_366 = vector.broadcast %eq3A_365 : i32 to vector<16xi32>
    %eq3A_367 = arith.cmpi eq, %iota3A, %eq3A_366 : vector<16xi32>
    %select_n3A_368 = arith.select %eq3A_367, %gather3A_351, %select_n3A_364 : vector<16xi1>, vector<16xf32>
    %eq3A_369 = arith.constant 5 : i32
    %eq3A_370 = vector.broadcast %eq3A_369 : i32 to vector<16xi32>
    %eq3A_371 = arith.cmpi eq, %iota3A, %eq3A_370 : vector<16xi32>
    %select_n3A_372 = arith.select %eq3A_371, %gather3A_352, %select_n3A_368 : vector<16xi1>, vector<16xf32>
    %swap3A = arith.constant 0 : index
    %swap3A_373 = tpu.vector_load %arg10[%swap3A] {strides = array<i32>} : memref<16xf32, #tpu.memory_space<vmem>>, vector<16xf32>,
    tpu.vector_store %arg10[%swap3A], %select_n3A_372 {strides = array<i32>} : memref<16xf32, #tpu.memory_space<vmem>>, vector<16xf32>,
    %run_scoped3A = arith.constant 0 : i32
    "tpu.region"() ({
      %run_scoped3A_385 = tpu.sem_alloc : memref<!tpu.dma_semaphore, #tpu.memory_space<semaphore_mem>>
      %dma_start3A_386 = arith.constant 0 : i32
      %dma_start3A_387 = tpu.memref_slice %arg13[%run_scoped3A, %arg1, %dma_start3A_386] : memref<2x16x16xf32, #tpu.memory_space<vmem_shared>> -> memref<1x1x16xf32, #tpu.memory_space<vmem_shared>>
      %dma_start3A_388 = tpu.memref_squeeze %dma_start3A_387 : memref<1x1x16xf32, #tpu.memory_space<vmem_shared>> -> memref<16xf32, #tpu.memory_space<vmem_shared>>
      %dma_start3A_389 = arith.constant 0 : i32
      %dma_start3A_390 = tpu.memref_slice %arg13[%run_scoped3A, %arg1, %dma_start3A_389] : memref<2x16x16xf32, #tpu.memory_space<vmem_shared>> -> memref<1x1x16xf32, #tpu.memory_space<vmem_shared>>
      %dma_start3A_391 = tpu.memref_squeeze %dma_start3A_390 : memref<1x1x16xf32, #tpu.memory_space<vmem_shared>> -> memref<16xf32, #tpu.memory_space<vmem_shared>>
      tpu.enqueue_dma source(%arg10 : memref<16xf32, #tpu.memory_space<vmem>>) target(%dma_start3A_391 : memref<16xf32, #tpu.memory_space<vmem_shared>>) target_semaphore(%run_scoped3A_385 : memref<!tpu.dma_semaphore, #tpu.memory_space<semaphore_mem>>)
      %dma_wait3A_392 = arith.constant 0 : i32
      %dma_wait3A_393 = tpu.memref_slice %arg13[%run_scoped3A, %arg1, %dma_wait3A_392] : memref<2x16x16xf32, #tpu.memory_space<vmem_shared>> -> memref<1x1x16xf32, #tpu.memory_space<vmem_shared>>
      %dma_wait3A_394 = tpu.memref_squeeze %dma_wait3A_393 : memref<1x1x16xf32, #tpu.memory_space<vmem_shared>> -> memref<16xf32, #tpu.memory_space<vmem_shared>>
      %dma_wait3A_395 = arith.constant 0 : i32
      %dma_wait3A_396 = tpu.memref_slice %arg13[%run_scoped3A, %arg1, %dma_wait3A_395] : memref<2x16x16xf32, #tpu.memory_space<vmem_shared>> -> memref<1x1x16xf32, #tpu.memory_space<vmem_shared>>
      %dma_wait3A_397 = tpu.memref_squeeze %dma_wait3A_396 : memref<1x1x16xf32, #tpu.memory_space<vmem_shared>> -> memref<16xf32, #tpu.memory_space<vmem_shared>>
      tpu.wait_dma2 semaphore(%run_scoped3A_385 : memref<!tpu.dma_semaphore, #tpu.memory_space<semaphore_mem>>) src(%arg10 : memref<16xf32, #tpu.memory_space<vmem>>) dst(%dma_wait3A_397 : memref<16xf32, #tpu.memory_space<vmem_shared>>)
      tpu.yield
    }) : () -> ()
    %barrier3A = arith.constant 0 : index
    tpu.barrier barrier_id(%barrier3A)
    %scan3A_374 = arith.constant 0 : i32
    %scan3A_375 = arith.constant 0 : i32
    %scan3A_376 = arith.constant 100 : i32
    %scan3A_377 = arith.addi %scan3A_375, %scan3A_376 : i32
    %scan3A_378 = arith.constant 1 : i32
    scf.for %scan3A_385 = %scan3A_375 to %scan3A_377 step %scan3A_378  : i32 {
      %rem3A = arith.constant 2 : i32
      %rem3A_386 = arith.remsi %scan3A_385, %rem3A : i32
      "tpu.region"() ({
        %run_scoped3A_446 = tpu.sem_alloc : memref<!tpu.dma_semaphore, #tpu.memory_space<semaphore_mem>>
        %dma_start3A_447 = arith.constant 0 : i32
        %dma_start3A_448 = arith.constant 0 : i32
        %dma_start3A_449 = tpu.memref_slice %arg13[%rem3A_386, %dma_start3A_447, %dma_start3A_448] : memref<2x16x16xf32, #tpu.memory_space<vmem_shared>> -> memref<1x16x16xf32, #tpu.memory_space<vmem_shared>>
        %dma_start3A_450 = tpu.memref_squeeze %dma_start3A_449 : memref<1x16x16xf32, #tpu.memory_space<vmem_shared>> -> memref<16x16xf32, #tpu.memory_space<vmem_shared>>
        %dma_start3A_451 = arith.constant 0 : i32
        %dma_start3A_452 = arith.constant 0 : i32
        %dma_start3A_453 = tpu.memref_slice %arg13[%rem3A_386, %dma_start3A_451, %dma_start3A_452] : memref<2x16x16xf32, #tpu.memory_space<vmem_shared>> -> memref<1x16x16xf32, #tpu.memory_space<vmem_shared>>
        %dma_start3A_454 = tpu.memref_squeeze %dma_start3A_453 : memref<1x16x16xf32, #tpu.memory_space<vmem_shared>> -> memref<16x16xf32, #tpu.memory_space<vmem_shared>>
        tpu.enqueue_dma source(%dma_start3A_454 : memref<16x16xf32, #tpu.memory_space<vmem_shared>>) target(%arg11 : memref<16x16xf32, #tpu.memory_space<vmem>>) target_semaphore(%run_scoped3A_446 : memref<!tpu.dma_semaphore, #tpu.memory_space<semaphore_mem>>)
        %dma_wait3A_455 = arith.constant 0 : i32
        %dma_wait3A_456 = arith.constant 0 : i32
        %dma_wait3A_457 = tpu.memref_slice %arg13[%rem3A_386, %dma_wait3A_455, %dma_wait3A_456] : memref<2x16x16xf32, #tpu.memory_space<vmem_shared>> -> memref<1x16x16xf32, #tpu.memory_space<vmem_shared>>
        %dma_wait3A_458 = tpu.memref_squeeze %dma_wait3A_457 : memref<1x16x16xf32, #tpu.memory_space<vmem_shared>> -> memref<16x16xf32, #tpu.memory_space<vmem_shared>>
        %dma_wait3A_459 = arith.constant 0 : i32
        %dma_wait3A_460 = arith.constant 0 : i32
        %dma_wait3A_461 = tpu.memref_slice %arg13[%rem3A_386, %dma_wait3A_459, %dma_wait3A_460] : memref<2x16x16xf32, #tpu.memory_space<vmem_shared>> -> memref<1x16x16xf32, #tpu.memory_space<vmem_shared>>
        %dma_wait3A_462 = tpu.memref_squeeze %dma_wait3A_461 : memref<1x16x16xf32, #tpu.memory_space<vmem_shared>> -> memref<16x16xf32, #tpu.memory_space<vmem_shared>>
        tpu.wait_dma2 semaphore(%run_scoped3A_446 : memref<!tpu.dma_semaphore, #tpu.memory_space<semaphore_mem>>) src(%dma_wait3A_462 : memref<16x16xf32, #tpu.memory_space<vmem_shared>>) dst(%arg11 : memref<16x16xf32, #tpu.memory_space<vmem>>)
        tpu.yield
      }) : () -> ()
      %gather3A_387 = tpu.vector_load_idx %arg11[%iota3A, %broadcast_in_dim3A_1] : memref<16x16xf32, #tpu.memory_space<vmem>>[vector<16xi32>, vector<16xi32>], vector<16xf32>,
      %xor3A_388 = arith.constant 8 : i32
      %xor3A_389 = vector.broadcast %xor3A_388 : i32 to vector<16xi32>
      %xor3A_390 = arith.xori %iota3A, %xor3A_389 : vector<16xi32>
      %reshape3A_391 = vector.shape_cast %xor3A_390 : vector<16xi32> to vector<16x1xi32>
      %gather3A_392 = vector.shape_cast %reshape3A_391 : vector<16x1xi32> to vector<16xi32>
      %gather3A_393 = tpu.dynamic_gather %gather3A_387[%gather3A_392] in [0] : vector<16xf32>, vector<16xi32> -> vector<16xf32>
      %max3A_394 = arith.maximumf %gather3A_387, %gather3A_393 : vector<16xf32>
      %xor3A_395 = arith.constant 4 : i32
      %xor3A_396 = vector.broadcast %xor3A_395 : i32 to vector<16xi32>
      %xor3A_397 = arith.xori %iota3A, %xor3A_396 : vector<16xi32>
      %reshape3A_398 = vector.shape_cast %xor3A_397 : vector<16xi32> to vector<16x1xi32>
      %gather3A_399 = vector.shape_cast %reshape3A_398 : vector<16x1xi32> to vector<16xi32>
      %gather3A_400 = tpu.dynamic_gather %max3A_394[%gather3A_399] in [0] : vector<16xf32>, vector<16xi32> -> vector<16xf32>
      %max3A_401 = arith.maximumf %max3A_394, %gather3A_400 : vector<16xf32>
      %xor3A_402 = arith.constant 2 : i32
      %xor3A_403 = vector.broadcast %xor3A_402 : i32 to vector<16xi32>
      %xor3A_404 = arith.xori %iota3A, %xor3A_403 : vector<16xi32>
      %reshape3A_405 = vector.shape_cast %xor3A_404 : vector<16xi32> to vector<16x1xi32>
      %gather3A_406 = vector.shape_cast %reshape3A_405 : vector<16x1xi32> to vector<16xi32>
      %gather3A_407 = tpu.dynamic_gather %max3A_401[%gather3A_406] in [0] : vector<16xf32>, vector<16xi32> -> vector<16xf32>
      %max3A_408 = arith.maximumf %max3A_401, %gather3A_407 : vector<16xf32>
      %xor3A_409 = arith.constant 1 : i32
      %xor3A_410 = vector.broadcast %xor3A_409 : i32 to vector<16xi32>
      %xor3A_411 = arith.xori %iota3A, %xor3A_410 : vector<16xi32>
      %reshape3A_412 = vector.shape_cast %xor3A_411 : vector<16xi32> to vector<16x1xi32>
      %gather3A_413 = vector.shape_cast %reshape3A_412 : vector<16x1xi32> to vector<16xi32>
      %gather3A_414 = tpu.dynamic_gather %max3A_408[%gather3A_413] in [0] : vector<16xf32>, vector<16xi32> -> vector<16xf32>
      %max3A_415 = arith.maximumf %max3A_408, %gather3A_414 : vector<16xf32>
      %eq3A_416 = arith.cmpf oeq, %gather3A_387, %max3A_415 : vector<16xf32>
      %all_reduce_ffs3A = tpu.all_reduce %eq3A_416 {dim = 0 : i64, kind = #tpu.reduction_kind<find_first_set>} : vector<16xi1> -> vector<16xi32>
      %broadcast_in_dim3A_417 = arith.constant 1 : i32
      %broadcast_in_dim3A_418 = vector.broadcast %broadcast_in_dim3A_417 : i32 to vector<16xi32>
      %gather3A_419 = tpu.vector_load_idx %arg11[%all_reduce_ffs3A, %broadcast_in_dim3A_418] : memref<16x16xf32, #tpu.memory_space<vmem>>[vector<16xi32>, vector<16xi32>], vector<16xf32>,
      %broadcast_in_dim3A_420 = arith.constant 2 : i32
      %broadcast_in_dim3A_421 = vector.broadcast %broadcast_in_dim3A_420 : i32 to vector<16xi32>
      %gather3A_422 = tpu.vector_load_idx %arg11[%all_reduce_ffs3A, %broadcast_in_dim3A_421] : memref<16x16xf32, #tpu.memory_space<vmem>>[vector<16xi32>, vector<16xi32>], vector<16xf32>,
      %broadcast_in_dim3A_423 = arith.constant 3 : i32
      %broadcast_in_dim3A_424 = vector.broadcast %broadcast_in_dim3A_423 : i32 to vector<16xi32>
      %gather3A_425 = tpu.vector_load_idx %arg11[%all_reduce_ffs3A, %broadcast_in_dim3A_424] : memref<16x16xf32, #tpu.memory_space<vmem>>[vector<16xi32>, vector<16xi32>], vector<16xf32>,
      %broadcast_in_dim3A_426 = arith.constant 4 : i32
      %broadcast_in_dim3A_427 = vector.broadcast %broadcast_in_dim3A_426 : i32 to vector<16xi32>
      %gather3A_428 = tpu.vector_load_idx %arg11[%all_reduce_ffs3A, %broadcast_in_dim3A_427] : memref<16x16xf32, #tpu.memory_space<vmem>>[vector<16xi32>, vector<16xi32>], vector<16xf32>,
      %broadcast_in_dim3A_429 = arith.constant 5 : i32
      %broadcast_in_dim3A_430 = vector.broadcast %broadcast_in_dim3A_429 : i32 to vector<16xi32>
      %gather3A_431 = tpu.vector_load_idx %arg11[%all_reduce_ffs3A, %broadcast_in_dim3A_430] : memref<16x16xf32, #tpu.memory_space<vmem>>[vector<16xi32>, vector<16xi32>], vector<16xf32>,
      %sub3A = arith.subf %gather3A_425, %gather3A_419 : vector<16xf32>
      %sub3A_432 = arith.subf %gather3A_428, %gather3A_422 : vector<16xf32>
      %mul3A_433 = arith.mulf %sub3A, %sub3A_432 : vector<16xf32>
      %eq3A_434 = arith.constant 0 : i32
      %eq3A_435 = arith.cmpi eq, %arg0, %eq3A_434 : i32
      %eq3A_436 = arith.constant 0 : i32
      %eq3A_437 = arith.cmpi eq, %arg1, %eq3A_436 : i32
      %and3A_438 = arith.andi %eq3A_435, %eq3A_437 : i1
      %convert_element_type3A_439 = arith.extui %and3A_438 : i1 to i32
      %cond3A_440 = arith.constant 0 : i32
      %cond3A_441 = arith.cmpi ne, %convert_element_type3A_439, %cond3A_440 : i32
      scf.if %cond3A_441 {
        %eq3A_446 = arith.constant 0 : i32
        %eq3A_447 = vector.broadcast %eq3A_446 : i32 to vector<16xi32>
        %eq3A_448 = arith.cmpi eq, %iota3A, %eq3A_447 : vector<16xi32>
        %broadcast_in_dim3A_449 = arith.constant 0.000000e+00 : f32
        %broadcast_in_dim3A_450 = vector.broadcast %broadcast_in_dim3A_449 : f32 to vector<16xf32>
        %select_n3A_451 = arith.select %eq3A_448, %gather3A_419, %broadcast_in_dim3A_450 : vector<16xi1>, vector<16xf32>
        %eq3A_452 = arith.constant 1 : i32
        %eq3A_453 = vector.broadcast %eq3A_452 : i32 to vector<16xi32>
        %eq3A_454 = arith.cmpi eq, %iota3A, %eq3A_453 : vector<16xi32>
        %select_n3A_455 = arith.select %eq3A_454, %gather3A_422, %select_n3A_451 : vector<16xi1>, vector<16xf32>
        %eq3A_456 = arith.constant 2 : i32
        %eq3A_457 = vector.broadcast %eq3A_456 : i32 to vector<16xi32>
        %eq3A_458 = arith.cmpi eq, %iota3A, %eq3A_457 : vector<16xi32>
        %select_n3A_459 = arith.select %eq3A_458, %gather3A_425, %select_n3A_455 : vector<16xi1>, vector<16xf32>
        %eq3A_460 = arith.constant 3 : i32
        %eq3A_461 = vector.broadcast %eq3A_460 : i32 to vector<16xi32>
        %eq3A_462 = arith.cmpi eq, %iota3A, %eq3A_461 : vector<16xi32>
        %select_n3A_463 = arith.select %eq3A_462, %gather3A_428, %select_n3A_459 : vector<16xi1>, vector<16xf32>
        %eq3A_464 = arith.constant 4 : i32
        %eq3A_465 = vector.broadcast %eq3A_464 : i32 to vector<16xi32>
        %eq3A_466 = arith.cmpi eq, %iota3A, %eq3A_465 : vector<16xi32>
        %select_n3A_467 = arith.select %eq3A_466, %gather3A_431, %select_n3A_463 : vector<16xi1>, vector<16xf32>
        %broadcast_in_dim3A_468 = vector.broadcast %scan3A_385 : i32 to vector<16xi32>
        tpu.vector_store_idx %arg12[%broadcast_in_dim3A_468, %iota3A], %select_n3A_467 : memref<100x16xf32, #tpu.memory_space<vmem>>[vector<16xi32>, vector<16xi32>], vector<16xf32>,
      } else {
      }
      %lt3A = arith.constant 99 : i32
      %lt3A_442 = arith.cmpi slt, %scan3A_385, %lt3A : i32
      %convert_element_type3A_443 = arith.extui %lt3A_442 : i1 to i32
      %cond3A_444 = arith.constant 0 : i32
      %cond3A_445 = arith.cmpi ne, %convert_element_type3A_443, %cond3A_444 : i32
      scf.if %cond3A_445 {
        %broadcast_in_dim3A_446 = arith.constant 0xFF800000 : f32
        %broadcast_in_dim3A_447 = vector.broadcast %broadcast_in_dim3A_446 : f32 to vector<16xf32>
        %scan3A_448 = arith.constant 0 : i32
        %scan3A_449 = arith.constant 79 : i32
        %scan3A_450 = arith.addi %scan3A_448, %scan3A_449 : i32
        %scan3A_451 = arith.constant 1 : i32
        %scan3A_452 = scf.for %scan3A_773 = %scan3A_448 to %scan3A_450 step %scan3A_451 iter_args(%scan3A_774 = %broadcast_in_dim3A_447) -> (vector<16xf32>)  : i32 {
          %mul3A_775 = arith.constant 16 : i32
          %mul3A_776 = arith.muli %scan3A_773, %mul3A_775 : i32
          %get3A_777 = arith.index_cast %mul3A_776 : i32 to index
          %get3A_778 = tpu.vector_load %arg4[%get3A_777] {strides = array<i32>} : memref<1264xf32, #tpu.memory_space<vmem>>, vector<16xf32>,
          %get3A_779 = arith.index_cast %mul3A_776 : i32 to index
          %get3A_780 = tpu.vector_load %arg5[%get3A_779] {strides = array<i32>} : memref<1264xf32, #tpu.memory_space<vmem>>, vector<16xf32>,
          %get3A_781 = arith.index_cast %mul3A_776 : i32 to index
          %get3A_782 = tpu.vector_load %arg6[%get3A_781] {strides = array<i32>} : memref<1264xf32, #tpu.memory_space<vmem>>, vector<16xf32>,
          %get3A_783 = arith.index_cast %mul3A_776 : i32 to index
          %get3A_784 = tpu.vector_load %arg7[%get3A_783] {strides = array<i32>} : memref<1264xf32, #tpu.memory_space<vmem>>, vector<16xf32>,
          %get3A_785 = arith.index_cast %mul3A_776 : i32 to index
          %get3A_786 = tpu.vector_load %arg8[%get3A_785] {strides = array<i32>} : memref<1264xf32, #tpu.memory_space<vmem>>, vector<16xf32>,
          %sub3A_787 = arith.subf %get3A_782, %get3A_778 : vector<16xf32>
          %sub3A_788 = arith.subf %get3A_784, %get3A_780 : vector<16xf32>
          %mul3A_789 = arith.mulf %sub3A_787, %sub3A_788 : vector<16xf32>
          %max3A_790 = arith.maximumf %gather3A_419, %get3A_778 : vector<16xf32>
          %max3A_791 = arith.maximumf %gather3A_422, %get3A_780 : vector<16xf32>
          %min3A_792 = arith.minimumf %gather3A_425, %get3A_782 : vector<16xf32>
          %min3A_793 = arith.minimumf %gather3A_428, %get3A_784 : vector<16xf32>
          %sub3A_794 = arith.subf %min3A_792, %max3A_790 : vector<16xf32>
          %max3A_795 = arith.constant 0.000000e+00 : f32
          %max3A_796 = vector.broadcast %max3A_795 : f32 to vector<16xf32>
          %max3A_797 = arith.maximumf %sub3A_794, %max3A_796 : vector<16xf32>
          %sub3A_798 = arith.subf %min3A_793, %max3A_791 : vector<16xf32>
          %max3A_799 = arith.constant 0.000000e+00 : f32
          %max3A_800 = vector.broadcast %max3A_799 : f32 to vector<16xf32>
          %max3A_801 = arith.maximumf %sub3A_798, %max3A_800 : vector<16xf32>
          %mul3A_802 = arith.mulf %max3A_797, %max3A_801 : vector<16xf32>
          %add3A_803 = arith.addf %mul3A_433, %mul3A_789 : vector<16xf32>
          %sub3A_804 = arith.subf %add3A_803, %mul3A_802 : vector<16xf32>
          %add3A_805 = arith.constant 9.99999971E-10 : f32
          %add3A_806 = vector.broadcast %add3A_805 : f32 to vector<16xf32>
          %add3A_807 = arith.addf %sub3A_804, %add3A_806 : vector<16xf32>
          %add3A_808 = arith.addf %mul3A_802, %mul3A_802 : vector<16xf32>
          %gt3A = arith.cmpf ogt, %add3A_808, %add3A_807 : vector<16xf32>
          %jit3A_809 = arith.constant -1.000000e+30 : f32
          %broadcast_in_dim3A_810 = vector.broadcast %jit3A_809 : f32 to vector<16xf32>
          %select_n3A_811 = arith.select %gt3A, %broadcast_in_dim3A_810, %get3A_786 : vector<16xi1>, vector<16xf32>
          %swap3A_812 = arith.index_cast %mul3A_776 : i32 to index
          %swap3A_813 = tpu.vector_load %arg8[%swap3A_812] {strides = array<i32>} : memref<1264xf32, #tpu.memory_space<vmem>>, vector<16xf32>,
          tpu.vector_store %arg8[%swap3A_812], %select_n3A_811 {strides = array<i32>} : memref<1264xf32, #tpu.memory_space<vmem>>, vector<16xf32>,
          %max3A_814 = arith.maximumf %scan3A_774, %select_n3A_811 : vector<16xf32>
          scf.yield %max3A_814 : vector<16xf32>
        }
        %scan3A_453 = arith.constant 79 : i32
        %xor3A_454 = arith.constant 8 : i32
        %xor3A_455 = vector.broadcast %xor3A_454 : i32 to vector<16xi32>
        %xor3A_456 = arith.xori %iota3A, %xor3A_455 : vector<16xi32>
        %reshape3A_457 = vector.shape_cast %xor3A_456 : vector<16xi32> to vector<16x1xi32>
        %gather3A_458 = vector.shape_cast %reshape3A_457 : vector<16x1xi32> to vector<16xi32>
        %gather3A_459 = tpu.dynamic_gather %scan3A_452[%gather3A_458] in [0] : vector<16xf32>, vector<16xi32> -> vector<16xf32>
        %max3A_460 = arith.maximumf %scan3A_452, %gather3A_459 : vector<16xf32>
        %xor3A_461 = arith.constant 4 : i32
        %xor3A_462 = vector.broadcast %xor3A_461 : i32 to vector<16xi32>
        %xor3A_463 = arith.xori %iota3A, %xor3A_462 : vector<16xi32>
        %reshape3A_464 = vector.shape_cast %xor3A_463 : vector<16xi32> to vector<16x1xi32>
        %gather3A_465 = vector.shape_cast %reshape3A_464 : vector<16x1xi32> to vector<16xi32>
        %gather3A_466 = tpu.dynamic_gather %max3A_460[%gather3A_465] in [0] : vector<16xf32>, vector<16xi32> -> vector<16xf32>
        %max3A_467 = arith.maximumf %max3A_460, %gather3A_466 : vector<16xf32>
        %xor3A_468 = arith.constant 2 : i32
        %xor3A_469 = vector.broadcast %xor3A_468 : i32 to vector<16xi32>
        %xor3A_470 = arith.xori %iota3A, %xor3A_469 : vector<16xi32>
        %reshape3A_471 = vector.shape_cast %xor3A_470 : vector<16xi32> to vector<16x1xi32>
        %gather3A_472 = vector.shape_cast %reshape3A_471 : vector<16x1xi32> to vector<16xi32>
        %gather3A_473 = tpu.dynamic_gather %max3A_467[%gather3A_472] in [0] : vector<16xf32>, vector<16xi32> -> vector<16xf32>
        %max3A_474 = arith.maximumf %max3A_467, %gather3A_473 : vector<16xf32>
        %xor3A_475 = arith.constant 1 : i32
        %xor3A_476 = vector.broadcast %xor3A_475 : i32 to vector<16xi32>
        %xor3A_477 = arith.xori %iota3A, %xor3A_476 : vector<16xi32>
        %reshape3A_478 = vector.shape_cast %xor3A_477 : vector<16xi32> to vector<16x1xi32>
        %gather3A_479 = vector.shape_cast %reshape3A_478 : vector<16x1xi32> to vector<16xi32>
        %gather3A_480 = tpu.dynamic_gather %max3A_474[%gather3A_479] in [0] : vector<16xf32>, vector<16xi32> -> vector<16xf32>
        %max3A_481 = arith.maximumf %max3A_474, %gather3A_480 : vector<16xf32>
        %broadcast_in_dim3A_482 = arith.constant 1073741824 : i32
        %broadcast_in_dim3A_483 = vector.broadcast %broadcast_in_dim3A_482 : i32 to vector<16xi32>
        %scan3A_484 = arith.constant 0 : i32
        %scan3A_485 = arith.constant 64 : i32
        %scan3A_486 = arith.addi %scan3A_484, %scan3A_485 : i32
        %scan3A_487 = arith.constant 16 : i32
        %scan3A_488 = scf.for %scan3A_773 = %scan3A_484 to %scan3A_486 step %scan3A_487 iter_args(%scan3A_774 = %broadcast_in_dim3A_483) -> (vector<16xi32>)  : i32 {
          %mul3A_775 = arith.constant 16 : i32
          %mul3A_776 = arith.muli %scan3A_773, %mul3A_775 : i32
          %get3A_777 = arith.index_cast %mul3A_776 : i32 to index
          %get3A_778 = tpu.vector_load %arg8[%get3A_777] {strides = array<i32>} : memref<1264xf32, #tpu.memory_space<vmem>>, vector<16xf32>,
          %eq3A_779 = arith.cmpf oeq, %get3A_778, %max3A_481 : vector<16xf32>
          %mul3A_780 = arith.constant 16 : i32
          %mul3A_781 = arith.muli %scan3A_773, %mul3A_780 : i32
          %add3A_782 = vector.broadcast %mul3A_781 : i32 to vector<16xi32>
          %add3A_783 = arith.addi %iota3A, %add3A_782 : vector<16xi32>
          %jit3A_784 = arith.constant 1073741824 : i32
          %broadcast_in_dim3A_785 = vector.broadcast %jit3A_784 : i32 to vector<16xi32>
          %select_n3A_786 = arith.select %eq3A_779, %add3A_783, %broadcast_in_dim3A_785 : vector<16xi1>, vector<16xi32>
          %min3A_787 = arith.minsi %scan3A_774, %select_n3A_786 : vector<16xi32>
          %scan3A_788 = arith.constant 1 : i32
          %scan3A_789 = arith.addi %scan3A_773, %scan3A_788 : i32
          %mul3A_790 = arith.constant 16 : i32
          %mul3A_791 = arith.muli %scan3A_789, %mul3A_790 : i32
          %get3A_792 = arith.index_cast %mul3A_791 : i32 to index
          %get3A_793 = tpu.vector_load %arg8[%get3A_792] {strides = array<i32>} : memref<1264xf32, #tpu.memory_space<vmem>>, vector<16xf32>,
          %eq3A_794 = arith.cmpf oeq, %get3A_793, %max3A_481 : vector<16xf32>
          %mul3A_795 = arith.constant 16 : i32
          %mul3A_796 = arith.muli %scan3A_789, %mul3A_795 : i32
          %add3A_797 = vector.broadcast %mul3A_796 : i32 to vector<16xi32>
          %add3A_798 = arith.addi %iota3A, %add3A_797 : vector<16xi32>
          %jit3A_799 = arith.constant 1073741824 : i32
          %broadcast_in_dim3A_800 = vector.broadcast %jit3A_799 : i32 to vector<16xi32>
          %select_n3A_801 = arith.select %eq3A_794, %add3A_798, %broadcast_in_dim3A_800 : vector<16xi1>, vector<16xi32>
          %min3A_802 = arith.minsi %min3A_787, %select_n3A_801 : vector<16xi32>
          %scan3A_803 = arith.constant 2 : i32
          %scan3A_804 = arith.addi %scan3A_773, %scan3A_803 : i32
          %mul3A_805 = arith.constant 16 : i32
          %mul3A_806 = arith.muli %scan3A_804, %mul3A_805 : i32
          %get3A_807 = arith.index_cast %mul3A_806 : i32 to index
          %get3A_808 = tpu.vector_load %arg8[%get3A_807] {strides = array<i32>} : memref<1264xf32, #tpu.memory_space<vmem>>, vector<16xf32>,
          %eq3A_809 = arith.cmpf oeq, %get3A_808, %max3A_481 : vector<16xf32>
          %mul3A_810 = arith.constant 16 : i32
          %mul3A_811 = arith.muli %scan3A_804, %mul3A_810 : i32
          %add3A_812 = vector.broadcast %mul3A_811 : i32 to vector<16xi32>
          %add3A_813 = arith.addi %iota3A, %add3A_812 : vector<16xi32>
          %jit3A_814 = arith.constant 1073741824 : i32
          %broadcast_in_dim3A_815 = vector.broadcast %jit3A_814 : i32 to vector<16xi32>
          %select_n3A_816 = arith.select %eq3A_809, %add3A_813, %broadcast_in_dim3A_815 : vector<16xi1>, vector<16xi32>
          %min3A_817 = arith.minsi %min3A_802, %select_n3A_816 : vector<16xi32>
          %scan3A_818 = arith.constant 3 : i32
          %scan3A_819 = arith.addi %scan3A_773, %scan3A_818 : i32
          %mul3A_820 = arith.constant 16 : i32
          %mul3A_821 = arith.muli %scan3A_819, %mul3A_820 : i32
          %get3A_822 = arith.index_cast %mul3A_821 : i32 to index
          %get3A_823 = tpu.vector_load %arg8[%get3A_822] {strides = array<i32>} : memref<1264xf32, #tpu.memory_space<vmem>>, vector<16xf32>,
          %eq3A_824 = arith.cmpf oeq, %get3A_823, %max3A_481 : vector<16xf32>
          %mul3A_825 = arith.constant 16 : i32
          %mul3A_826 = arith.muli %scan3A_819, %mul3A_825 : i32
          %add3A_827 = vector.broadcast %mul3A_826 : i32 to vector<16xi32>
          %add3A_828 = arith.addi %iota3A, %add3A_827 : vector<16xi32>
          %jit3A_829 = arith.constant 1073741824 : i32
          %broadcast_in_dim3A_830 = vector.broadcast %jit3A_829 : i32 to vector<16xi32>
          %select_n3A_831 = arith.select %eq3A_824, %add3A_828, %broadcast_in_dim3A_830 : vector<16xi1>, vector<16xi32>
          %min3A_832 = arith.minsi %min3A_817, %select_n3A_831 : vector<16xi32>
          %scan3A_833 = arith.constant 4 : i32
          %scan3A_834 = arith.addi %scan3A_773, %scan3A_833 : i32
          %mul3A_835 = arith.constant 16 : i32
          %mul3A_836 = arith.muli %scan3A_834, %mul3A_835 : i32
          %get3A_837 = arith.index_cast %mul3A_836 : i32 to index
          %get3A_838 = tpu.vector_load %arg8[%get3A_837] {strides = array<i32>} : memref<1264xf32, #tpu.memory_space<vmem>>, vector<16xf32>,
          %eq3A_839 = arith.cmpf oeq, %get3A_838, %max3A_481 : vector<16xf32>
          %mul3A_840 = arith.constant 16 : i32
          %mul3A_841 = arith.muli %scan3A_834, %mul3A_840 : i32
          %add3A_842 = vector.broadcast %mul3A_841 : i32 to vector<16xi32>
          %add3A_843 = arith.addi %iota3A, %add3A_842 : vector<16xi32>
          %jit3A_844 = arith.constant 1073741824 : i32
          %broadcast_in_dim3A_845 = vector.broadcast %jit3A_844 : i32 to vector<16xi32>
          %select_n3A_846 = arith.select %eq3A_839, %add3A_843, %broadcast_in_dim3A_845 : vector<16xi1>, vector<16xi32>
          %min3A_847 = arith.minsi %min3A_832, %select_n3A_846 : vector<16xi32>
          %scan3A_848 = arith.constant 5 : i32
          %scan3A_849 = arith.addi %scan3A_773, %scan3A_848 : i32
          %mul3A_850 = arith.constant 16 : i32
          %mul3A_851 = arith.muli %scan3A_849, %mul3A_850 : i32
          %get3A_852 = arith.index_cast %mul3A_851 : i32 to index
          %get3A_853 = tpu.vector_load %arg8[%get3A_852] {strides = array<i32>} : memref<1264xf32, #tpu.memory_space<vmem>>, vector<16xf32>,
          %eq3A_854 = arith.cmpf oeq, %get3A_853, %max3A_481 : vector<16xf32>
          %mul3A_855 = arith.constant 16 : i32
          %mul3A_856 = arith.muli %scan3A_849, %mul3A_855 : i32
          %add3A_857 = vector.broadcast %mul3A_856 : i32 to vector<16xi32>
          %add3A_858 = arith.addi %iota3A, %add3A_857 : vector<16xi32>
          %jit3A_859 = arith.constant 1073741824 : i32
          %broadcast_in_dim3A_860 = vector.broadcast %jit3A_859 : i32 to vector<16xi32>
          %select_n3A_861 = arith.select %eq3A_854, %add3A_858, %broadcast_in_dim3A_860 : vector<16xi1>, vector<16xi32>
          %min3A_862 = arith.minsi %min3A_847, %select_n3A_861 : vector<16xi32>
          %scan3A_863 = arith.constant 6 : i32
          %scan3A_864 = arith.addi %scan3A_773, %scan3A_863 : i32
          %mul3A_865 = arith.constant 16 : i32
          %mul3A_866 = arith.muli %scan3A_864, %mul3A_865 : i32
          %get3A_867 = arith.index_cast %mul3A_866 : i32 to index
          %get3A_868 = tpu.vector_load %arg8[%get3A_867] {strides = array<i32>} : memref<1264xf32, #tpu.memory_space<vmem>>, vector<16xf32>,
          %eq3A_869 = arith.cmpf oeq, %get3A_868, %max3A_481 : vector<16xf32>
          %mul3A_870 = arith.constant 16 : i32
          %mul3A_871 = arith.muli %scan3A_864, %mul3A_870 : i32
          %add3A_872 = vector.broadcast %mul3A_871 : i32 to vector<16xi32>
          %add3A_873 = arith.addi %iota3A, %add3A_872 : vector<16xi32>
          %jit3A_874 = arith.constant 1073741824 : i32
          %broadcast_in_dim3A_875 = vector.broadcast %jit3A_874 : i32 to vector<16xi32>
          %select_n3A_876 = arith.select %eq3A_869, %add3A_873, %broadcast_in_dim3A_875 : vector<16xi1>, vector<16xi32>
          %min3A_877 = arith.minsi %min3A_862, %select_n3A_876 : vector<16xi32>
          %scan3A_878 = arith.constant 7 : i32
          %scan3A_879 = arith.addi %scan3A_773, %scan3A_878 : i32
          %mul3A_880 = arith.constant 16 : i32
          %mul3A_881 = arith.muli %scan3A_879, %mul3A_880 : i32
          %get3A_882 = arith.index_cast %mul3A_881 : i32 to index
          %get3A_883 = tpu.vector_load %arg8[%get3A_882] {strides = array<i32>} : memref<1264xf32, #tpu.memory_space<vmem>>, vector<16xf32>,
          %eq3A_884 = arith.cmpf oeq, %get3A_883, %max3A_481 : vector<16xf32>
          %mul3A_885 = arith.constant 16 : i32
          %mul3A_886 = arith.muli %scan3A_879, %mul3A_885 : i32
          %add3A_887 = vector.broadcast %mul3A_886 : i32 to vector<16xi32>
          %add3A_888 = arith.addi %iota3A, %add3A_887 : vector<16xi32>
          %jit3A_889 = arith.constant 1073741824 : i32
          %broadcast_in_dim3A_890 = vector.broadcast %jit3A_889 : i32 to vector<16xi32>
          %select_n3A_891 = arith.select %eq3A_884, %add3A_888, %broadcast_in_dim3A_890 : vector<16xi1>, vector<16xi32>
          %min3A_892 = arith.minsi %min3A_877, %select_n3A_891 : vector<16xi32>
          %scan3A_893 = arith.constant 8 : i32
          %scan3A_894 = arith.addi %scan3A_773, %scan3A_893 : i32
          %mul3A_895 = arith.constant 16 : i32
          %mul3A_896 = arith.muli %scan3A_894, %mul3A_895 : i32
          %get3A_897 = arith.index_cast %mul3A_896 : i32 to index
          %get3A_898 = tpu.vector_load %arg8[%get3A_897] {strides = array<i32>} : memref<1264xf32, #tpu.memory_space<vmem>>, vector<16xf32>,
          %eq3A_899 = arith.cmpf oeq, %get3A_898, %max3A_481 : vector<16xf32>
          %mul3A_900 = arith.constant 16 : i32
          %mul3A_901 = arith.muli %scan3A_894, %mul3A_900 : i32
          %add3A_902 = vector.broadcast %mul3A_901 : i32 to vector<16xi32>
          %add3A_903 = arith.addi %iota3A, %add3A_902 : vector<16xi32>
          %jit3A_904 = arith.constant 1073741824 : i32
          %broadcast_in_dim3A_905 = vector.broadcast %jit3A_904 : i32 to vector<16xi32>
          %select_n3A_906 = arith.select %eq3A_899, %add3A_903, %broadcast_in_dim3A_905 : vector<16xi1>, vector<16xi32>
          %min3A_907 = arith.minsi %min3A_892, %select_n3A_906 : vector<16xi32>
          %scan3A_908 = arith.constant 9 : i32
          %scan3A_909 = arith.addi %scan3A_773, %scan3A_908 : i32
          %mul3A_910 = arith.constant 16 : i32
          %mul3A_911 = arith.muli %scan3A_909, %mul3A_910 : i32
          %get3A_912 = arith.index_cast %mul3A_911 : i32 to index
          %get3A_913 = tpu.vector_load %arg8[%get3A_912] {strides = array<i32>} : memref<1264xf32, #tpu.memory_space<vmem>>, vector<16xf32>,
          %eq3A_914 = arith.cmpf oeq, %get3A_913, %max3A_481 : vector<16xf32>
          %mul3A_915 = arith.constant 16 : i32
          %mul3A_916 = arith.muli %scan3A_909, %mul3A_915 : i32
          %add3A_917 = vector.broadcast %mul3A_916 : i32 to vector<16xi32>
          %add3A_918 = arith.addi %iota3A, %add3A_917 : vector<16xi32>
          %jit3A_919 = arith.constant 1073741824 : i32
          %broadcast_in_dim3A_920 = vector.broadcast %jit3A_919 : i32 to vector<16xi32>
          %select_n3A_921 = arith.select %eq3A_914, %add3A_918, %broadcast_in_dim3A_920 : vector<16xi1>, vector<16xi32>
          %min3A_922 = arith.minsi %min3A_907, %select_n3A_921 : vector<16xi32>
          %scan3A_923 = arith.constant 10 : i32
          %scan3A_924 = arith.addi %scan3A_773, %scan3A_923 : i32
          %mul3A_925 = arith.constant 16 : i32
          %mul3A_926 = arith.muli %scan3A_924, %mul3A_925 : i32
          %get3A_927 = arith.index_cast %mul3A_926 : i32 to index
          %get3A_928 = tpu.vector_load %arg8[%get3A_927] {strides = array<i32>} : memref<1264xf32, #tpu.memory_space<vmem>>, vector<16xf32>,
          %eq3A_929 = arith.cmpf oeq, %get3A_928, %max3A_481 : vector<16xf32>
          %mul3A_930 = arith.constant 16 : i32
          %mul3A_931 = arith.muli %scan3A_924, %mul3A_930 : i32
          %add3A_932 = vector.broadcast %mul3A_931 : i32 to vector<16xi32>
          %add3A_933 = arith.addi %iota3A, %add3A_932 : vector<16xi32>
          %jit3A_934 = arith.constant 1073741824 : i32
          %broadcast_in_dim3A_935 = vector.broadcast %jit3A_934 : i32 to vector<16xi32>
          %select_n3A_936 = arith.select %eq3A_929, %add3A_933, %broadcast_in_dim3A_935 : vector<16xi1>, vector<16xi32>
          %min3A_937 = arith.minsi %min3A_922, %select_n3A_936 : vector<16xi32>
          %scan3A_938 = arith.constant 11 : i32
          %scan3A_939 = arith.addi %scan3A_773, %scan3A_938 : i32
          %mul3A_940 = arith.constant 16 : i32
          %mul3A_941 = arith.muli %scan3A_939, %mul3A_940 : i32
          %get3A_942 = arith.index_cast %mul3A_941 : i32 to index
          %get3A_943 = tpu.vector_load %arg8[%get3A_942] {strides = array<i32>} : memref<1264xf32, #tpu.memory_space<vmem>>, vector<16xf32>,
          %eq3A_944 = arith.cmpf oeq, %get3A_943, %max3A_481 : vector<16xf32>
          %mul3A_945 = arith.constant 16 : i32
          %mul3A_946 = arith.muli %scan3A_939, %mul3A_945 : i32
          %add3A_947 = vector.broadcast %mul3A_946 : i32 to vector<16xi32>
          %add3A_948 = arith.addi %iota3A, %add3A_947 : vector<16xi32>
          %jit3A_949 = arith.constant 1073741824 : i32
          %broadcast_in_dim3A_950 = vector.broadcast %jit3A_949 : i32 to vector<16xi32>
          %select_n3A_951 = arith.select %eq3A_944, %add3A_948, %broadcast_in_dim3A_950 : vector<16xi1>, vector<16xi32>
          %min3A_952 = arith.minsi %min3A_937, %select_n3A_951 : vector<16xi32>
          %scan3A_953 = arith.constant 12 : i32
          %scan3A_954 = arith.addi %scan3A_773, %scan3A_953 : i32
          %mul3A_955 = arith.constant 16 : i32
          %mul3A_956 = arith.muli %scan3A_954, %mul3A_955 : i32
          %get3A_957 = arith.index_cast %mul3A_956 : i32 to index
          %get3A_958 = tpu.vector_load %arg8[%get3A_957] {strides = array<i32>} : memref<1264xf32, #tpu.memory_space<vmem>>, vector<16xf32>,
          %eq3A_959 = arith.cmpf oeq, %get3A_958, %max3A_481 : vector<16xf32>
          %mul3A_960 = arith.constant 16 : i32
          %mul3A_961 = arith.muli %scan3A_954, %mul3A_960 : i32
          %add3A_962 = vector.broadcast %mul3A_961 : i32 to vector<16xi32>
          %add3A_963 = arith.addi %iota3A, %add3A_962 : vector<16xi32>
          %jit3A_964 = arith.constant 1073741824 : i32
          %broadcast_in_dim3A_965 = vector.broadcast %jit3A_964 : i32 to vector<16xi32>
          %select_n3A_966 = arith.select %eq3A_959, %add3A_963, %broadcast_in_dim3A_965 : vector<16xi1>, vector<16xi32>
          %min3A_967 = arith.minsi %min3A_952, %select_n3A_966 : vector<16xi32>
          %scan3A_968 = arith.constant 13 : i32
          %scan3A_969 = arith.addi %scan3A_773, %scan3A_968 : i32
          %mul3A_970 = arith.constant 16 : i32
          %mul3A_971 = arith.muli %scan3A_969, %mul3A_970 : i32
          %get3A_972 = arith.index_cast %mul3A_971 : i32 to index
          %get3A_973 = tpu.vector_load %arg8[%get3A_972] {strides = array<i32>} : memref<1264xf32, #tpu.memory_space<vmem>>, vector<16xf32>,
          %eq3A_974 = arith.cmpf oeq, %get3A_973, %max3A_481 : vector<16xf32>
          %mul3A_975 = arith.constant 16 : i32
          %mul3A_976 = arith.muli %scan3A_969, %mul3A_975 : i32
          %add3A_977 = vector.broadcast %mul3A_976 : i32 to vector<16xi32>
          %add3A_978 = arith.addi %iota3A, %add3A_977 : vector<16xi32>
          %jit3A_979 = arith.constant 1073741824 : i32
          %broadcast_in_dim3A_980 = vector.broadcast %jit3A_979 : i32 to vector<16xi32>
          %select_n3A_981 = arith.select %eq3A_974, %add3A_978, %broadcast_in_dim3A_980 : vector<16xi1>, vector<16xi32>
          %min3A_982 = arith.minsi %min3A_967, %select_n3A_981 : vector<16xi32>
          %scan3A_983 = arith.constant 14 : i32
          %scan3A_984 = arith.addi %scan3A_773, %scan3A_983 : i32
          %mul3A_985 = arith.constant 16 : i32
          %mul3A_986 = arith.muli %scan3A_984, %mul3A_985 : i32
          %get3A_987 = arith.index_cast %mul3A_986 : i32 to index
          %get3A_988 = tpu.vector_load %arg8[%get3A_987] {strides = array<i32>} : memref<1264xf32, #tpu.memory_space<vmem>>, vector<16xf32>,
          %eq3A_989 = arith.cmpf oeq, %get3A_988, %max3A_481 : vector<16xf32>
          %mul3A_990 = arith.constant 16 : i32
          %mul3A_991 = arith.muli %scan3A_984, %mul3A_990 : i32
          %add3A_992 = vector.broadcast %mul3A_991 : i32 to vector<16xi32>
          %add3A_993 = arith.addi %iota3A, %add3A_992 : vector<16xi32>
          %jit3A_994 = arith.constant 1073741824 : i32
          %broadcast_in_dim3A_995 = vector.broadcast %jit3A_994 : i32 to vector<16xi32>
          %select_n3A_996 = arith.select %eq3A_989, %add3A_993, %broadcast_in_dim3A_995 : vector<16xi1>, vector<16xi32>
          %min3A_997 = arith.minsi %min3A_982, %select_n3A_996 : vector<16xi32>
          %scan3A_998 = arith.constant 15 : i32
          %scan3A_999 = arith.addi %scan3A_773, %scan3A_998 : i32
          %mul3A_1000 = arith.constant 16 : i32
          %mul3A_1001 = arith.muli %scan3A_999, %mul3A_1000 : i32
          %get3A_1002 = arith.index_cast %mul3A_1001 : i32 to index
          %get3A_1003 = tpu.vector_load %arg8[%get3A_1002] {strides = array<i32>} : memref<1264xf32, #tpu.memory_space<vmem>>, vector<16xf32>,
          %eq3A_1004 = arith.cmpf oeq, %get3A_1003, %max3A_481 : vector<16xf32>
          %mul3A_1005 = arith.constant 16 : i32
          %mul3A_1006 = arith.muli %scan3A_999, %mul3A_1005 : i32
          %add3A_1007 = vector.broadcast %mul3A_1006 : i32 to vector<16xi32>
          %add3A_1008 = arith.addi %iota3A, %add3A_1007 : vector<16xi32>
          %jit3A_1009 = arith.constant 1073741824 : i32
          %broadcast_in_dim3A_1010 = vector.broadcast %jit3A_1009 : i32 to vector<16xi32>
          %select_n3A_1011 = arith.select %eq3A_1004, %add3A_1008, %broadcast_in_dim3A_1010 : vector<16xi1>, vector<16xi32>
          %min3A_1012 = arith.minsi %min3A_997, %select_n3A_1011 : vector<16xi32>
          scf.yield %min3A_1012 : vector<16xi32>
        }
        %scan3A_489 = arith.constant 64 : i32
        %scan3A_490 = arith.addi %scan3A_484, %scan3A_489 : i32
        %mul3A_491 = arith.constant 16 : i32
        %mul3A_492 = arith.muli %scan3A_490, %mul3A_491 : i32
        %get3A_493 = arith.index_cast %mul3A_492 : i32 to index
        %get3A_494 = tpu.vector_load %arg8[%get3A_493] {strides = array<i32>} : memref<1264xf32, #tpu.memory_space<vmem>>, vector<16xf32>,
        %eq3A_495 = arith.cmpf oeq, %get3A_494, %max3A_481 : vector<16xf32>
        %mul3A_496 = arith.constant 16 : i32
        %mul3A_497 = arith.muli %scan3A_490, %mul3A_496 : i32
        %add3A_498 = vector.broadcast %mul3A_497 : i32 to vector<16xi32>
        %add3A_499 = arith.addi %iota3A, %add3A_498 : vector<16xi32>
        %jit3A_500 = arith.constant 1073741824 : i32
        %broadcast_in_dim3A_501 = vector.broadcast %jit3A_500 : i32 to vector<16xi32>
        %select_n3A_502 = arith.select %eq3A_495, %add3A_499, %broadcast_in_dim3A_501 : vector<16xi1>, vector<16xi32>
        %min3A_503 = arith.minsi %scan3A_488, %select_n3A_502 : vector<16xi32>
        %scan3A_504 = arith.constant 65 : i32
        %scan3A_505 = arith.addi %scan3A_484, %scan3A_504 : i32
        %mul3A_506 = arith.constant 16 : i32
        %mul3A_507 = arith.muli %scan3A_505, %mul3A_506 : i32
        %get3A_508 = arith.index_cast %mul3A_507 : i32 to index
        %get3A_509 = tpu.vector_load %arg8[%get3A_508] {strides = array<i32>} : memref<1264xf32, #tpu.memory_space<vmem>>, vector<16xf32>,
        %eq3A_510 = arith.cmpf oeq, %get3A_509, %max3A_481 : vector<16xf32>
        %mul3A_511 = arith.constant 16 : i32
        %mul3A_512 = arith.muli %scan3A_505, %mul3A_511 : i32
        %add3A_513 = vector.broadcast %mul3A_512 : i32 to vector<16xi32>
        %add3A_514 = arith.addi %iota3A, %add3A_513 : vector<16xi32>
        %jit3A_515 = arith.constant 1073741824 : i32
        %broadcast_in_dim3A_516 = vector.broadcast %jit3A_515 : i32 to vector<16xi32>
        %select_n3A_517 = arith.select %eq3A_510, %add3A_514, %broadcast_in_dim3A_516 : vector<16xi1>, vector<16xi32>
        %min3A_518 = arith.minsi %min3A_503, %select_n3A_517 : vector<16xi32>
        %scan3A_519 = arith.constant 66 : i32
        %scan3A_520 = arith.addi %scan3A_484, %scan3A_519 : i32
        %mul3A_521 = arith.constant 16 : i32
        %mul3A_522 = arith.muli %scan3A_520, %mul3A_521 : i32
        %get3A_523 = arith.index_cast %mul3A_522 : i32 to index
        %get3A_524 = tpu.vector_load %arg8[%get3A_523] {strides = array<i32>} : memref<1264xf32, #tpu.memory_space<vmem>>, vector<16xf32>,
        %eq3A_525 = arith.cmpf oeq, %get3A_524, %max3A_481 : vector<16xf32>
        %mul3A_526 = arith.constant 16 : i32
        %mul3A_527 = arith.muli %scan3A_520, %mul3A_526 : i32
        %add3A_528 = vector.broadcast %mul3A_527 : i32 to vector<16xi32>
        %add3A_529 = arith.addi %iota3A, %add3A_528 : vector<16xi32>
        %jit3A_530 = arith.constant 1073741824 : i32
        %broadcast_in_dim3A_531 = vector.broadcast %jit3A_530 : i32 to vector<16xi32>
        %select_n3A_532 = arith.select %eq3A_525, %add3A_529, %broadcast_in_dim3A_531 : vector<16xi1>, vector<16xi32>
        %min3A_533 = arith.minsi %min3A_518, %select_n3A_532 : vector<16xi32>
        %scan3A_534 = arith.constant 67 : i32
        %scan3A_535 = arith.addi %scan3A_484, %scan3A_534 : i32
        %mul3A_536 = arith.constant 16 : i32
        %mul3A_537 = arith.muli %scan3A_535, %mul3A_536 : i32
        %get3A_538 = arith.index_cast %mul3A_537 : i32 to index
        %get3A_539 = tpu.vector_load %arg8[%get3A_538] {strides = array<i32>} : memref<1264xf32, #tpu.memory_space<vmem>>, vector<16xf32>,
        %eq3A_540 = arith.cmpf oeq, %get3A_539, %max3A_481 : vector<16xf32>
        %mul3A_541 = arith.constant 16 : i32
        %mul3A_542 = arith.muli %scan3A_535, %mul3A_541 : i32
        %add3A_543 = vector.broadcast %mul3A_542 : i32 to vector<16xi32>
        %add3A_544 = arith.addi %iota3A, %add3A_543 : vector<16xi32>
        %jit3A_545 = arith.constant 1073741824 : i32
        %broadcast_in_dim3A_546 = vector.broadcast %jit3A_545 : i32 to vector<16xi32>
        %select_n3A_547 = arith.select %eq3A_540, %add3A_544, %broadcast_in_dim3A_546 : vector<16xi1>, vector<16xi32>
        %min3A_548 = arith.minsi %min3A_533, %select_n3A_547 : vector<16xi32>
        %scan3A_549 = arith.constant 68 : i32
        %scan3A_550 = arith.addi %scan3A_484, %scan3A_549 : i32
        %mul3A_551 = arith.constant 16 : i32
        %mul3A_552 = arith.muli %scan3A_550, %mul3A_551 : i32
        %get3A_553 = arith.index_cast %mul3A_552 : i32 to index
        %get3A_554 = tpu.vector_load %arg8[%get3A_553] {strides = array<i32>} : memref<1264xf32, #tpu.memory_space<vmem>>, vector<16xf32>,
        %eq3A_555 = arith.cmpf oeq, %get3A_554, %max3A_481 : vector<16xf32>
        %mul3A_556 = arith.constant 16 : i32
        %mul3A_557 = arith.muli %scan3A_550, %mul3A_556 : i32
        %add3A_558 = vector.broadcast %mul3A_557 : i32 to vector<16xi32>
        %add3A_559 = arith.addi %iota3A, %add3A_558 : vector<16xi32>
        %jit3A_560 = arith.constant 1073741824 : i32
        %broadcast_in_dim3A_561 = vector.broadcast %jit3A_560 : i32 to vector<16xi32>
        %select_n3A_562 = arith.select %eq3A_555, %add3A_559, %broadcast_in_dim3A_561 : vector<16xi1>, vector<16xi32>
        %min3A_563 = arith.minsi %min3A_548, %select_n3A_562 : vector<16xi32>
        %scan3A_564 = arith.constant 69 : i32
        %scan3A_565 = arith.addi %scan3A_484, %scan3A_564 : i32
        %mul3A_566 = arith.constant 16 : i32
        %mul3A_567 = arith.muli %scan3A_565, %mul3A_566 : i32
        %get3A_568 = arith.index_cast %mul3A_567 : i32 to index
        %get3A_569 = tpu.vector_load %arg8[%get3A_568] {strides = array<i32>} : memref<1264xf32, #tpu.memory_space<vmem>>, vector<16xf32>,
        %eq3A_570 = arith.cmpf oeq, %get3A_569, %max3A_481 : vector<16xf32>
        %mul3A_571 = arith.constant 16 : i32
        %mul3A_572 = arith.muli %scan3A_565, %mul3A_571 : i32
        %add3A_573 = vector.broadcast %mul3A_572 : i32 to vector<16xi32>
        %add3A_574 = arith.addi %iota3A, %add3A_573 : vector<16xi32>
        %jit3A_575 = arith.constant 1073741824 : i32
        %broadcast_in_dim3A_576 = vector.broadcast %jit3A_575 : i32 to vector<16xi32>
        %select_n3A_577 = arith.select %eq3A_570, %add3A_574, %broadcast_in_dim3A_576 : vector<16xi1>, vector<16xi32>
        %min3A_578 = arith.minsi %min3A_563, %select_n3A_577 : vector<16xi32>
        %scan3A_579 = arith.constant 70 : i32
        %scan3A_580 = arith.addi %scan3A_484, %scan3A_579 : i32
        %mul3A_581 = arith.constant 16 : i32
        %mul3A_582 = arith.muli %scan3A_580, %mul3A_581 : i32
        %get3A_583 = arith.index_cast %mul3A_582 : i32 to index
        %get3A_584 = tpu.vector_load %arg8[%get3A_583] {strides = array<i32>} : memref<1264xf32, #tpu.memory_space<vmem>>, vector<16xf32>,
        %eq3A_585 = arith.cmpf oeq, %get3A_584, %max3A_481 : vector<16xf32>
        %mul3A_586 = arith.constant 16 : i32
        %mul3A_587 = arith.muli %scan3A_580, %mul3A_586 : i32
        %add3A_588 = vector.broadcast %mul3A_587 : i32 to vector<16xi32>
        %add3A_589 = arith.addi %iota3A, %add3A_588 : vector<16xi32>
        %jit3A_590 = arith.constant 1073741824 : i32
        %broadcast_in_dim3A_591 = vector.broadcast %jit3A_590 : i32 to vector<16xi32>
        %select_n3A_592 = arith.select %eq3A_585, %add3A_589, %broadcast_in_dim3A_591 : vector<16xi1>, vector<16xi32>
        %min3A_593 = arith.minsi %min3A_578, %select_n3A_592 : vector<16xi32>
        %scan3A_594 = arith.constant 71 : i32
        %scan3A_595 = arith.addi %scan3A_484, %scan3A_594 : i32
        %mul3A_596 = arith.constant 16 : i32
        %mul3A_597 = arith.muli %scan3A_595, %mul3A_596 : i32
        %get3A_598 = arith.index_cast %mul3A_597 : i32 to index
        %get3A_599 = tpu.vector_load %arg8[%get3A_598] {strides = array<i32>} : memref<1264xf32, #tpu.memory_space<vmem>>, vector<16xf32>,
        %eq3A_600 = arith.cmpf oeq, %get3A_599, %max3A_481 : vector<16xf32>
        %mul3A_601 = arith.constant 16 : i32
        %mul3A_602 = arith.muli %scan3A_595, %mul3A_601 : i32
        %add3A_603 = vector.broadcast %mul3A_602 : i32 to vector<16xi32>
        %add3A_604 = arith.addi %iota3A, %add3A_603 : vector<16xi32>
        %jit3A_605 = arith.constant 1073741824 : i32
        %broadcast_in_dim3A_606 = vector.broadcast %jit3A_605 : i32 to vector<16xi32>
        %select_n3A_607 = arith.select %eq3A_600, %add3A_604, %broadcast_in_dim3A_606 : vector<16xi1>, vector<16xi32>
        %min3A_608 = arith.minsi %min3A_593, %select_n3A_607 : vector<16xi32>
        %scan3A_609 = arith.constant 72 : i32
        %scan3A_610 = arith.addi %scan3A_484, %scan3A_609 : i32
        %mul3A_611 = arith.constant 16 : i32
        %mul3A_612 = arith.muli %scan3A_610, %mul3A_611 : i32
        %get3A_613 = arith.index_cast %mul3A_612 : i32 to index
        %get3A_614 = tpu.vector_load %arg8[%get3A_613] {strides = array<i32>} : memref<1264xf32, #tpu.memory_space<vmem>>, vector<16xf32>,
        %eq3A_615 = arith.cmpf oeq, %get3A_614, %max3A_481 : vector<16xf32>
        %mul3A_616 = arith.constant 16 : i32
        %mul3A_617 = arith.muli %scan3A_610, %mul3A_616 : i32
        %add3A_618 = vector.broadcast %mul3A_617 : i32 to vector<16xi32>
        %add3A_619 = arith.addi %iota3A, %add3A_618 : vector<16xi32>
        %jit3A_620 = arith.constant 1073741824 : i32
        %broadcast_in_dim3A_621 = vector.broadcast %jit3A_620 : i32 to vector<16xi32>
        %select_n3A_622 = arith.select %eq3A_615, %add3A_619, %broadcast_in_dim3A_621 : vector<16xi1>, vector<16xi32>
        %min3A_623 = arith.minsi %min3A_608, %select_n3A_622 : vector<16xi32>
        %scan3A_624 = arith.constant 73 : i32
        %scan3A_625 = arith.addi %scan3A_484, %scan3A_624 : i32
        %mul3A_626 = arith.constant 16 : i32
        %mul3A_627 = arith.muli %scan3A_625, %mul3A_626 : i32
        %get3A_628 = arith.index_cast %mul3A_627 : i32 to index
        %get3A_629 = tpu.vector_load %arg8[%get3A_628] {strides = array<i32>} : memref<1264xf32, #tpu.memory_space<vmem>>, vector<16xf32>,
        %eq3A_630 = arith.cmpf oeq, %get3A_629, %max3A_481 : vector<16xf32>
        %mul3A_631 = arith.constant 16 : i32
        %mul3A_632 = arith.muli %scan3A_625, %mul3A_631 : i32
        %add3A_633 = vector.broadcast %mul3A_632 : i32 to vector<16xi32>
        %add3A_634 = arith.addi %iota3A, %add3A_633 : vector<16xi32>
        %jit3A_635 = arith.constant 1073741824 : i32
        %broadcast_in_dim3A_636 = vector.broadcast %jit3A_635 : i32 to vector<16xi32>
        %select_n3A_637 = arith.select %eq3A_630, %add3A_634, %broadcast_in_dim3A_636 : vector<16xi1>, vector<16xi32>
        %min3A_638 = arith.minsi %min3A_623, %select_n3A_637 : vector<16xi32>
        %scan3A_639 = arith.constant 74 : i32
        %scan3A_640 = arith.addi %scan3A_484, %scan3A_639 : i32
        %mul3A_641 = arith.constant 16 : i32
        %mul3A_642 = arith.muli %scan3A_640, %mul3A_641 : i32
        %get3A_643 = arith.index_cast %mul3A_642 : i32 to index
        %get3A_644 = tpu.vector_load %arg8[%get3A_643] {strides = array<i32>} : memref<1264xf32, #tpu.memory_space<vmem>>, vector<16xf32>,
        %eq3A_645 = arith.cmpf oeq, %get3A_644, %max3A_481 : vector<16xf32>
        %mul3A_646 = arith.constant 16 : i32
        %mul3A_647 = arith.muli %scan3A_640, %mul3A_646 : i32
        %add3A_648 = vector.broadcast %mul3A_647 : i32 to vector<16xi32>
        %add3A_649 = arith.addi %iota3A, %add3A_648 : vector<16xi32>
        %jit3A_650 = arith.constant 1073741824 : i32
        %broadcast_in_dim3A_651 = vector.broadcast %jit3A_650 : i32 to vector<16xi32>
        %select_n3A_652 = arith.select %eq3A_645, %add3A_649, %broadcast_in_dim3A_651 : vector<16xi1>, vector<16xi32>
        %min3A_653 = arith.minsi %min3A_638, %select_n3A_652 : vector<16xi32>
        %scan3A_654 = arith.constant 75 : i32
        %scan3A_655 = arith.addi %scan3A_484, %scan3A_654 : i32
        %mul3A_656 = arith.constant 16 : i32
        %mul3A_657 = arith.muli %scan3A_655, %mul3A_656 : i32
        %get3A_658 = arith.index_cast %mul3A_657 : i32 to index
        %get3A_659 = tpu.vector_load %arg8[%get3A_658] {strides = array<i32>} : memref<1264xf32, #tpu.memory_space<vmem>>, vector<16xf32>,
        %eq3A_660 = arith.cmpf oeq, %get3A_659, %max3A_481 : vector<16xf32>
        %mul3A_661 = arith.constant 16 : i32
        %mul3A_662 = arith.muli %scan3A_655, %mul3A_661 : i32
        %add3A_663 = vector.broadcast %mul3A_662 : i32 to vector<16xi32>
        %add3A_664 = arith.addi %iota3A, %add3A_663 : vector<16xi32>
        %jit3A_665 = arith.constant 1073741824 : i32
        %broadcast_in_dim3A_666 = vector.broadcast %jit3A_665 : i32 to vector<16xi32>
        %select_n3A_667 = arith.select %eq3A_660, %add3A_664, %broadcast_in_dim3A_666 : vector<16xi1>, vector<16xi32>
        %min3A_668 = arith.minsi %min3A_653, %select_n3A_667 : vector<16xi32>
        %scan3A_669 = arith.constant 76 : i32
        %scan3A_670 = arith.addi %scan3A_484, %scan3A_669 : i32
        %mul3A_671 = arith.constant 16 : i32
        %mul3A_672 = arith.muli %scan3A_670, %mul3A_671 : i32
        %get3A_673 = arith.index_cast %mul3A_672 : i32 to index
        %get3A_674 = tpu.vector_load %arg8[%get3A_673] {strides = array<i32>} : memref<1264xf32, #tpu.memory_space<vmem>>, vector<16xf32>,
        %eq3A_675 = arith.cmpf oeq, %get3A_674, %max3A_481 : vector<16xf32>
        %mul3A_676 = arith.constant 16 : i32
        %mul3A_677 = arith.muli %scan3A_670, %mul3A_676 : i32
        %add3A_678 = vector.broadcast %mul3A_677 : i32 to vector<16xi32>
        %add3A_679 = arith.addi %iota3A, %add3A_678 : vector<16xi32>
        %jit3A_680 = arith.constant 1073741824 : i32
        %broadcast_in_dim3A_681 = vector.broadcast %jit3A_680 : i32 to vector<16xi32>
        %select_n3A_682 = arith.select %eq3A_675, %add3A_679, %broadcast_in_dim3A_681 : vector<16xi1>, vector<16xi32>
        %min3A_683 = arith.minsi %min3A_668, %select_n3A_682 : vector<16xi32>
        %scan3A_684 = arith.constant 77 : i32
        %scan3A_685 = arith.addi %scan3A_484, %scan3A_684 : i32
        %mul3A_686 = arith.constant 16 : i32
        %mul3A_687 = arith.muli %scan3A_685, %mul3A_686 : i32
        %get3A_688 = arith.index_cast %mul3A_687 : i32 to index
        %get3A_689 = tpu.vector_load %arg8[%get3A_688] {strides = array<i32>} : memref<1264xf32, #tpu.memory_space<vmem>>, vector<16xf32>,
        %eq3A_690 = arith.cmpf oeq, %get3A_689, %max3A_481 : vector<16xf32>
        %mul3A_691 = arith.constant 16 : i32
        %mul3A_692 = arith.muli %scan3A_685, %mul3A_691 : i32
        %add3A_693 = vector.broadcast %mul3A_692 : i32 to vector<16xi32>
        %add3A_694 = arith.addi %iota3A, %add3A_693 : vector<16xi32>
        %jit3A_695 = arith.constant 1073741824 : i32
        %broadcast_in_dim3A_696 = vector.broadcast %jit3A_695 : i32 to vector<16xi32>
        %select_n3A_697 = arith.select %eq3A_690, %add3A_694, %broadcast_in_dim3A_696 : vector<16xi1>, vector<16xi32>
        %min3A_698 = arith.minsi %min3A_683, %select_n3A_697 : vector<16xi32>
        %scan3A_699 = arith.constant 78 : i32
        %scan3A_700 = arith.addi %scan3A_484, %scan3A_699 : i32
        %mul3A_701 = arith.constant 16 : i32
        %mul3A_702 = arith.muli %scan3A_700, %mul3A_701 : i32
        %get3A_703 = arith.index_cast %mul3A_702 : i32 to index
        %get3A_704 = tpu.vector_load %arg8[%get3A_703] {strides = array<i32>} : memref<1264xf32, #tpu.memory_space<vmem>>, vector<16xf32>,
        %eq3A_705 = arith.cmpf oeq, %get3A_704, %max3A_481 : vector<16xf32>
        %mul3A_706 = arith.constant 16 : i32
        %mul3A_707 = arith.muli %scan3A_700, %mul3A_706 : i32
        %add3A_708 = vector.broadcast %mul3A_707 : i32 to vector<16xi32>
        %add3A_709 = arith.addi %iota3A, %add3A_708 : vector<16xi32>
        %jit3A_710 = arith.constant 1073741824 : i32
        %broadcast_in_dim3A_711 = vector.broadcast %jit3A_710 : i32 to vector<16xi32>
        %select_n3A_712 = arith.select %eq3A_705, %add3A_709, %broadcast_in_dim3A_711 : vector<16xi1>, vector<16xi32>
        %min3A_713 = arith.minsi %min3A_698, %select_n3A_712 : vector<16xi32>
        %scan3A_714 = arith.constant 79 : i32
        %xor3A_715 = arith.constant 8 : i32
        %xor3A_716 = vector.broadcast %xor3A_715 : i32 to vector<16xi32>
        %xor3A_717 = arith.xori %iota3A, %xor3A_716 : vector<16xi32>
        %reshape3A_718 = vector.shape_cast %xor3A_717 : vector<16xi32> to vector<16x1xi32>
        %gather3A_719 = vector.shape_cast %reshape3A_718 : vector<16x1xi32> to vector<16xi32>
        %gather3A_720 = tpu.dynamic_gather %min3A_713[%gather3A_719] in [0] : vector<16xi32>, vector<16xi32> -> vector<16xi32>
        %min3A_721 = arith.minsi %min3A_713, %gather3A_720 : vector<16xi32>
        %xor3A_722 = arith.constant 4 : i32
        %xor3A_723 = vector.broadcast %xor3A_722 : i32 to vector<16xi32>
        %xor3A_724 = arith.xori %iota3A, %xor3A_723 : vector<16xi32>
        %reshape3A_725 = vector.shape_cast %xor3A_724 : vector<16xi32> to vector<16x1xi32>
        %gather3A_726 = vector.shape_cast %reshape3A_725 : vector<16x1xi32> to vector<16xi32>
        %gather3A_727 = tpu.dynamic_gather %min3A_721[%gather3A_726] in [0] : vector<16xi32>, vector<16xi32> -> vector<16xi32>
        %min3A_728 = arith.minsi %min3A_721, %gather3A_727 : vector<16xi32>
        %xor3A_729 = arith.constant 2 : i32
        %xor3A_730 = vector.broadcast %xor3A_729 : i32 to vector<16xi32>
        %xor3A_731 = arith.xori %iota3A, %xor3A_730 : vector<16xi32>
        %reshape3A_732 = vector.shape_cast %xor3A_731 : vector<16xi32> to vector<16x1xi32>
        %gather3A_733 = vector.shape_cast %reshape3A_732 : vector<16x1xi32> to vector<16xi32>
        %gather3A_734 = tpu.dynamic_gather %min3A_728[%gather3A_733] in [0] : vector<16xi32>, vector<16xi32> -> vector<16xi32>
        %min3A_735 = arith.minsi %min3A_728, %gather3A_734 : vector<16xi32>
        %xor3A_736 = arith.constant 1 : i32
        %xor3A_737 = vector.broadcast %xor3A_736 : i32 to vector<16xi32>
        %xor3A_738 = arith.xori %iota3A, %xor3A_737 : vector<16xi32>
        %reshape3A_739 = vector.shape_cast %xor3A_738 : vector<16xi32> to vector<16x1xi32>
        %gather3A_740 = vector.shape_cast %reshape3A_739 : vector<16x1xi32> to vector<16xi32>
        %gather3A_741 = tpu.dynamic_gather %min3A_735[%gather3A_740] in [0] : vector<16xi32>, vector<16xi32> -> vector<16xi32>
        %min3A_742 = arith.minsi %min3A_735, %gather3A_741 : vector<16xi32>
        %sub3A_743 = arith.constant 1 : i32
        %sub3A_744 = arith.subi %sub3A_743, %rem3A_386 : i32
        %gather3A_745 = tpu.vector_load_idx %arg4[%min3A_742] : memref<1264xf32, #tpu.memory_space<vmem>>[vector<16xi32>], vector<16xf32>,
        %gather3A_746 = tpu.vector_load_idx %arg5[%min3A_742] : memref<1264xf32, #tpu.memory_space<vmem>>[vector<16xi32>], vector<16xf32>,
        %gather3A_747 = tpu.vector_load_idx %arg6[%min3A_742] : memref<1264xf32, #tpu.memory_space<vmem>>[vector<16xi32>], vector<16xf32>,
        %gather3A_748 = tpu.vector_load_idx %arg7[%min3A_742] : memref<1264xf32, #tpu.memory_space<vmem>>[vector<16xi32>], vector<16xf32>,
        %gather3A_749 = tpu.vector_load_idx %arg9[%min3A_742] : memref<1264xf32, #tpu.memory_space<vmem>>[vector<16xi32>], vector<16xf32>,
        %eq3A_750 = arith.constant 1 : i32
        %eq3A_751 = vector.broadcast %eq3A_750 : i32 to vector<16xi32>
        %eq3A_752 = arith.cmpi eq, %iota3A, %eq3A_751 : vector<16xi32>
        %select_n3A_753 = arith.select %eq3A_752, %gather3A_745, %max3A_481 : vector<16xi1>, vector<16xf32>
        %eq3A_754 = arith.constant 2 : i32
        %eq3A_755 = vector.broadcast %eq3A_754 : i32 to vector<16xi32>
        %eq3A_756 = arith.cmpi eq, %iota3A, %eq3A_755 : vector<16xi32>
        %select_n3A_757 = arith.select %eq3A_756, %gather3A_746, %select_n3A_753 : vector<16xi1>, vector<16xf32>
        %eq3A_758 = arith.constant 3 : i32
        %eq3A_759 = vector.broadcast %eq3A_758 : i32 to vector<16xi32>
        %eq3A_760 = arith.cmpi eq, %iota3A, %eq3A_759 : vector<16xi32>
        %select_n3A_761 = arith.select %eq3A_760, %gather3A_747, %select_n3A_757 : vector<16xi1>, vector<16xf32>
        %eq3A_762 = arith.constant 4 : i32
        %eq3A_763 = vector.broadcast %eq3A_762 : i32 to vector<16xi32>
        %eq3A_764 = arith.cmpi eq, %iota3A, %eq3A_763 : vector<16xi32>
        %select_n3A_765 = arith.select %eq3A_764, %gather3A_748, %select_n3A_761 : vector<16xi1>, vector<16xf32>
        %eq3A_766 = arith.constant 5 : i32
        %eq3A_767 = vector.broadcast %eq3A_766 : i32 to vector<16xi32>
        %eq3A_768 = arith.cmpi eq, %iota3A, %eq3A_767 : vector<16xi32>
        %select_n3A_769 = arith.select %eq3A_768, %gather3A_749, %select_n3A_765 : vector<16xi1>, vector<16xf32>
        %swap3A_770 = arith.constant 0 : index
        %swap3A_771 = tpu.vector_load %arg10[%swap3A_770] {strides = array<i32>} : memref<16xf32, #tpu.memory_space<vmem>>, vector<16xf32>,
        tpu.vector_store %arg10[%swap3A_770], %select_n3A_769 {strides = array<i32>} : memref<16xf32, #tpu.memory_space<vmem>>, vector<16xf32>,
        "tpu.region"() ({
          %run_scoped3A_773 = tpu.sem_alloc : memref<!tpu.dma_semaphore, #tpu.memory_space<semaphore_mem>>
          %dma_start3A_774 = arith.constant 0 : i32
          %dma_start3A_775 = tpu.memref_slice %arg13[%sub3A_744, %arg1, %dma_start3A_774] : memref<2x16x16xf32, #tpu.memory_space<vmem_shared>> -> memref<1x1x16xf32, #tpu.memory_space<vmem_shared>>
          %dma_start3A_776 = tpu.memref_squeeze %dma_start3A_775 : memref<1x1x16xf32, #tpu.memory_space<vmem_shared>> -> memref<16xf32, #tpu.memory_space<vmem_shared>>
          %dma_start3A_777 = arith.constant 0 : i32
          %dma_start3A_778 = tpu.memref_slice %arg13[%sub3A_744, %arg1, %dma_start3A_777] : memref<2x16x16xf32, #tpu.memory_space<vmem_shared>> -> memref<1x1x16xf32, #tpu.memory_space<vmem_shared>>
          %dma_start3A_779 = tpu.memref_squeeze %dma_start3A_778 : memref<1x1x16xf32, #tpu.memory_space<vmem_shared>> -> memref<16xf32, #tpu.memory_space<vmem_shared>>
          tpu.enqueue_dma source(%arg10 : memref<16xf32, #tpu.memory_space<vmem>>) target(%dma_start3A_779 : memref<16xf32, #tpu.memory_space<vmem_shared>>) target_semaphore(%run_scoped3A_773 : memref<!tpu.dma_semaphore, #tpu.memory_space<semaphore_mem>>)
          %dma_wait3A_780 = arith.constant 0 : i32
          %dma_wait3A_781 = tpu.memref_slice %arg13[%sub3A_744, %arg1, %dma_wait3A_780] : memref<2x16x16xf32, #tpu.memory_space<vmem_shared>> -> memref<1x1x16xf32, #tpu.memory_space<vmem_shared>>
          %dma_wait3A_782 = tpu.memref_squeeze %dma_wait3A_781 : memref<1x1x16xf32, #tpu.memory_space<vmem_shared>> -> memref<16xf32, #tpu.memory_space<vmem_shared>>
          %dma_wait3A_783 = arith.constant 0 : i32
          %dma_wait3A_784 = tpu.memref_slice %arg13[%sub3A_744, %arg1, %dma_wait3A_783] : memref<2x16x16xf32, #tpu.memory_space<vmem_shared>> -> memref<1x1x16xf32, #tpu.memory_space<vmem_shared>>
          %dma_wait3A_785 = tpu.memref_squeeze %dma_wait3A_784 : memref<1x1x16xf32, #tpu.memory_space<vmem_shared>> -> memref<16xf32, #tpu.memory_space<vmem_shared>>
          tpu.wait_dma2 semaphore(%run_scoped3A_773 : memref<!tpu.dma_semaphore, #tpu.memory_space<semaphore_mem>>) src(%arg10 : memref<16xf32, #tpu.memory_space<vmem>>) dst(%dma_wait3A_785 : memref<16xf32, #tpu.memory_space<vmem_shared>>)
          tpu.yield
        }) : () -> ()
        %barrier3A_772 = arith.constant 0 : index
        tpu.barrier barrier_id(%barrier3A_772)
      } else {
      }
    }
    %scan3A_379 = arith.constant 100 : i32
    %eq3A_380 = arith.constant 0 : i32
    %eq3A_381 = arith.cmpi eq, %arg0, %eq3A_380 : i32
    %eq3A_382 = arith.constant 0 : i32
    %eq3A_383 = arith.cmpi eq, %arg1, %eq3A_382 : i32
    %and3A = arith.andi %eq3A_381, %eq3A_383 : i1
    %convert_element_type3A = arith.extui %and3A : i1 to i32
    %cond3A = arith.constant 0 : i32
    %cond3A_384 = arith.cmpi ne, %convert_element_type3A, %cond3A : i32
    scf.if %cond3A_384 {
      "tpu.region"() ({
        %run_scoped3A_385 = tpu.sem_alloc : memref<!tpu.dma_semaphore, #tpu.memory_space<semaphore_mem>>
        tpu.enqueue_dma source(%arg12 : memref<100x16xf32, #tpu.memory_space<vmem>>) target(%arg3 : memref<100x16xf32, #tpu.memory_space<hbm>>) target_semaphore(%run_scoped3A_385 : memref<!tpu.dma_semaphore, #tpu.memory_space<semaphore_mem>>)
        tpu.wait_dma2 semaphore(%run_scoped3A_385 : memref<!tpu.dma_semaphore, #tpu.memory_space<semaphore_mem>>) src(%arg12 : memref<100x16xf32, #tpu.memory_space<vmem>>) dst(%arg3 : memref<100x16xf32, #tpu.memory_space<hbm>>)
        tpu.yield
      }) : () -> ()
    } else {
    }
    return
  }
}

</mosaic_0001>

<sc_bundles>
// kernel: kernel.3.cloned.1.call-start
scs
__scs_entry_jumppad:
0x0: {  	(pc) =	sbr.rel $0x88, $3  }
0x1: {  	(tag) =	ssettag $0x0;
	lr =	simm.s32 $0x1  }
0x2: {  	[smem:$0x3FA0] =	sst lr;
	_ =	strace $0xD0000000  }
0x3: {  	_ = 	snop  }
0x4: {  	_ = 	snop  }
0x5: {  	_ = 	snop  }
0x6: {  	_ = 	snop  }
0x7: {  	_ = 	snop  }
__scs_overlays_trampoline_lowered:
0x8: {  	[smem:$0x3FAF] =	sst s0  }
0x9: {  	[smem:$0x3FB0] =	sst s1  }
0xa: {  	[smem:$0x3FB1] =	sst s2  }
0xb: {  	[smem:$0x3FB2] =	sst s3  }
0xc: {  	[smem:$0x3FB3] =	sst s4  }
0xd: {  	[smem:$0x3FB4] =	sst s5  }
0xe: {  	[smem:$0x3FB5] =	sst s6  }
0xf: {  	[smem:$0x3FB6] =	sst s7  }
0x10: {  	[smem:$0x3FB7] =	sst s8  }
0x11: {  	[smem:$0x3FB8] =	sst s9;
	s0 =	simm.s32 @!p0 $0x0  }
0x12: {  	s1 =	sld [smem:$0x3F9E];
	s0 =	simm.s32 @p0 $0x1  }
0x13: {  	[smem:$0x3FB9] =	sst s0;
	s0 =	simm.s32 @!p1 $0x0  }
0x14: {  	s2 =	sld [smem:$0x3F9D];
	s0 =	simm.s32 @p1 $0x1  }
0x15: {  	[smem:$0x3FBA] =	sst s0;
	s0 =	simm.s32 @!p2 $0x0  }
0x16: {  	s3 =	sld [smem:$0x3FDB];
	s0 =	simm.s32 @p2 $0x1  }
0x17: {  	s4 =	simm.s32 $0x1BF5;
	[smem:$0x3FBC] =	sst s0  }
0x18: {  	s0 =	sld [smem:$0x3F9F];
	_ =	swait.ge [sflag:s4], $0x0  }
0x19: {  	s7 =	sld [smem:$0x3FA0]  }
0x1a: {  	s8 =	sadd.s32 $0xFFFFE003, lr  }
0x1b: {  	s9 =	sadd.s32 $0xFFFFFEF7, lr;
	s5 =	simm.s32 $0xFFFFFFFF;
	p2 =	slt.u32 s8, $0xFFFFF086  }
0x1c: {  	p1 =	slt.u32 s9, $0xF7A;
	s5 =	simm.s32 @!p2 $0x0  }
0x1d: {  	s5 =	simm.s32 @p1 $0x1;
	p0 =	seq.s32 s7, s2  }
0x1e: {  	s7 =	smul.u32 @!p0 $0xF7A, s2;
	p2 =	seq.s32 @!p0 s5, $0x0  }
0x1f: {  	s9 =	smul.u32 $0xF7A, s1;
	s8 =	simm.s32 @!p0 $0x1BF5;
	p2 =	por !p2, p0  }
0x20: {  	[sflag:s8] =	ssyncset.s32 @!p0 $0xFFFFF086;
	s6 =	sadd.s32 @!p0 s3, s7;
	s7 =	simm.s32 @!p0 $0x108  }
0x21: {  	s3 =	sadd.s32 s3, s9;
	s6 =	sadd.s32 @!p0 $0x88, s6;
	s7 =	simm.s32 @p2 $0x1082  }
0x22: {  	[simem:s7], [sflag:s8] =	dma.local @!p0 [hbm:s6], $0xF7A  }
0x23: {  	s9 =	sor.u32 $0xD0000000, s2;
	s6 =	simm.s32 $0x108;
	_ =	swait.ge @!p0 [sflag:s8], $0x0  }
0x24: {  	s3 =	sadd.s32 $0x88, s3;
	s6 =	simm.s32 @!p1 $0x1082;
	[sflag:s4] =	ssyncset.s32 $0xFFFFF086  }
0x25: {  	[simem:s6], [sflag:s4] =	dma.local [hbm:s3], $0xF7A  }
0x26: {  	[smem:$0x3FA0] =	sst s1;
	(tag) =	ssettag s2;
	_ =	strace s9  }
0x27: {  	s1 =	sld [smem:$0x3FB0]  }
0x28: {  	s2 =	sld [smem:$0x3FB1]  }
0x29: {  	s4 =	sld [smem:$0x3FB3]  }
0x2a: {  	p0 =	seq.s32 s5, $0x0;
	s5 =	sld [smem:$0x3FB4]  }
0x2b: {  	s6 =	sld [smem:$0x3FB5]  }
0x2c: {  	s7 =	sld [smem:$0x3FB6]  }
0x2d: {  	s3 =	simm.s32 $0x108;
	s8 =	sld [smem:$0x3FB7]  }
0x2e: {  	s3 =	simm.s32 @!p0 $0x1082;
	s9 =	sld [smem:$0x3FB8]  }
0x2f: {  	lr =	sadd.s32 s0, s3;
	s0 =	sld [smem:$0x3FAF]  }
0x30: {  	s3 =	sld [smem:$0x3FB2]  }
0x31: {  	[smem:$0x3FBB] =	sst s10  }
0x32: {  	s10 =	sld [smem:$0x3FB9];
	_ =	sdelay $0x3  }
0x33: {  	p0 =	seq.s32 s10, $0x1;
	s10 =	sld [smem:$0x3FBB];
	_ =	sdelay $0x3  }
0x34: {  	[smem:$0x3FBB] =	sst s10  }
0x35: {  	s10 =	sld [smem:$0x3FBA];
	_ =	sdelay $0x3  }
0x36: {  	p1 =	seq.s32 s10, $0x1;
	s10 =	sld [smem:$0x3FBB];
	_ =	sdelay $0x3  }
0x37: {  	[smem:$0x3FBB] =	sst s10  }
0x38: {  	s10 =	sld [smem:$0x3FBC]  }
0x39: {  	_ = 	snop;
	(pc) =	sbr.ind lr, $3  }
0x3a: {  	_ = 	snop  }
0x3b: {  	_ = 	snop  }
0x3c: {  	p2 =	seq.s32 s10, $0x1;
	s10 =	sld [smem:$0x3FBB]  }
0x3d: {  	_ =	shalt  }
0x3e: {  	_ =	shalt  }
0x3f: {  	_ =	shalt  }
0x40: {  	_ =	shalt  }
0x41: {  	_ =	shalt  }
0x42: {  	_ =	shalt  }
0x43: {  	_ =	shalt  }
0x44: {  	_ =	shalt  }
0x45: {  	_ =	shalt  }
0x46: {  	_ =	shalt  }
0x47: {  	_ =	shalt  }
0x48: {  	_ =	shalt  }
0x49: {  	_ =	shalt  }
0x4a: {  	_ =	shalt  }
0x4b: {  	_ =	shalt  }
0x4c: {  	_ =	shalt  }
0x4d: {  	_ =	shalt  }
0x4e: {  	_ =	shalt  }
0x4f: {  	_ =	shalt  }
0x50: {  	_ =	shalt  }
0x51: {  	_ =	shalt  }
0x52: {  	_ =	shalt  }
0x53: {  	_ =	shalt  }
0x54: {  	_ =	shalt  }
0x55: {  	_ =	shalt  }
0x56: {  	_ =	shalt  }
0x57: {  	_ =	shalt  }
0x58: {  	_ =	shalt  }
0x59: {  	_ =	shalt  }
0x5a: {  	_ =	shalt  }
0x5b: {  	_ =	shalt  }
0x5c: {  	_ =	shalt  }
0x5d: {  	_ =	shalt  }
0x5e: {  	_ =	shalt  }
0x5f: {  	_ =	shalt  }
0x60: {  	_ =	shalt  }
0x61: {  	_ =	shalt  }
0x62: {  	_ =	shalt  }
0x63: {  	_ =	shalt  }
0x64: {  	_ =	shalt  }
0x65: {  	_ =	shalt  }
0x66: {  	_ =	shalt  }
0x67: {  	_ =	shalt  }
0x68: {  	_ =	shalt  }
0x69: {  	_ =	shalt  }
0x6a: {  	_ =	shalt  }
0x6b: {  	_ =	shalt  }
0x6c: {  	_ =	shalt  }
0x6d: {  	_ =	shalt  }
0x6e: {  	_ =	shalt  }
0x6f: {  	_ =	shalt  }
0x70: {  	_ =	shalt  }
0x71: {  	_ =	shalt  }
0x72: {  	_ =	shalt  }
0x73: {  	_ =	shalt  }
0x74: {  	_ =	shalt  }
0x75: {  	_ =	shalt  }
0x76: {  	_ =	shalt  }
0x77: {  	_ =	shalt  }
0x78: {  	_ =	shalt  }
0x79: {  	_ =	shalt  }
0x7a: {  	_ =	shalt  }
0x7b: {  	_ =	shalt  }
0x7c: {  	_ =	shalt  }
0x7d: {  	_ =	shalt  }
0x7e: {  	_ =	shalt  }
0x7f: {  	_ =	shalt  }
0x80: {  	_ =	shalt  }
0x81: {  	_ =	shalt  }
0x82: {  	_ =	shalt  }
0x83: {  	_ =	shalt  }
0x84: {  	_ =	shalt  }
0x85: {  	_ =	shalt  }
0x86: {  	_ =	shalt  }
0x87: {  	_ =	shalt  }
.Lfunc_end0:
.L_simem_size_0:
called_computation_lowered:
.L_overlay_start_0:
0x88: {  	s2 =	sld [smem:$0x3FD9]  }
0x89: {  	s3 =	sld [smem:$0x3FFE];
	_ =	sdelay $0x1  }
0x8a: {  	s1 =	srdreg.scid  }
0x8b: {  	s0 =	sand.u32 $0x1, s1  }
0x8c: {  	s16 =	sshll.u32 s0, $0xA;
	s2 =	sadd.s32 s3, s2  }
0x8d: {  	s2 =	sadd.s32 s2, s16  }
0x8e: {  	[smem:$0x3FC7] =	sst s2  }
0x8f: {  	_ = 	snop  }
0x90: {  	(tm) =	ssettm $0x1  }
0x91: {  	s17 =	sld [smem:$0x3FFB];
	_ =	sdelay $0x3  }
0x92: {  	_ =	strace s17  }
0x93: {  	s2 =	sld [smem:$0x3FFC];
	_ =	sdelay $0x3  }
0x94: {  	_ =	strace s2  }
0x95: {  	s2 =	sld [smem:$0x3FFD];
	_ =	sdelay $0x3  }
0x96: {  	_ =	strace s2  }
0x97: {  	_ =	strace $0x8FFFFFFF  }
0x98: {  	s18 =	sld [smem:$0x3FDB];
	_ =	sdelay $0x1  }
0x99: {  	s19 =	simm.s32 $_scs_section_size  }
0x9a: {  	s4 =	simm.s32 $_size__tile_overlayer_lowered;
	s5 =	simm.s32 $_tile_overlayer_lowered  }
0x9b: {  	s22 =	simm.s32 $0x1BFF;
	s21 =	sshll.u32 s5, $0x1;
	s2 =	sadd.s32 s19, s18  }
0x9c: {  	s6 =	simm.s32 $0x0;
	s20 =	sshll.u32 s4, $0x1;
	s4 =	sadd.s32 s21, s2  }
0x9d: {  	[timem:s6], [sflag:s22] =	dma.local [hbm:s4], s20  }
0x9e: {  	_ =	swait.ge [sflag:s22], s20  }
0x9f: {  	s3 =	ssub.s32 $0x0, s20;
	[sflag:s22] =	ssyncset.done $0x0  }
0xa0: {  	[sflag:s22] =	ssyncadd.s32 s3;
	_ =	sdelay $0x1  }
0xa1: {  	s23 =	simm.s32 $0x1B8B  }
0xa2: {  	_ =	swait.ge [sflag:s23], $0x1  }
0xa3: {  	[sflag:s23] =	ssyncset.done $0x0  }
0xa4: {  	s25 =	simm.s32 $0x1B8E;
	s24 =	sld [smem:$0x3FFE];
	[sflag:s23] =	ssyncadd.s32 $0xFFFFFFFF  }
0xa5: {  	s26 =	simm.s32 $execute0_lowered;
	[smem:$0x3FD2] =	sst s25  }
0xa6: {  	s4 =	sshll.u32 s26, $0x1;
	_ =	strace $0x80000046;
	[dreg:$0x1] =	wrdreg $0xFFFFFFFF  }
0xa7: {  	s28 =	simm.s32 $_size_execute0_lowered;
	s2 =	sadd.s32 s2, s4;
	[dreg:$0x0] =	wrdreg $0x0  }
0xa8: {  	s4 =	sshll.u32 s28, $0x1;
	[dreg:$0x2] =	wrdreg s2  }
0xa9: {  	[dreg:$0x3] =	wrdreg s4  }
0xaa: {  	[dreg:$0x4] =	wrdreg $0xC0  }
0xab: {  	_ =	task [dreg:s6], $0x5FFFF  }
0xac: {  	[dreg:$0x1] =	wrdreg $0xFFFFFFFF  }
0xad: {  	[dreg:$0x0] =	wrdreg $0x60  }
0xae: {  	[dreg:$0x2] =	wrdreg s24  }
0xaf: {  	[dreg:$0x3] =	wrdreg $0x24F00  }
0xb0: {  	[dreg:$0x4] =	wrdreg $0x9  }
0xb1: {  	_ =	task.clear_ibuf [dreg:s6], $0x5FFFF;
	_ =	strace $0x90000046  }
0xb2: {  	s29 =	simm.s32 $0x9;
	_ =	strace $0x80000048  }
0xb3: {  	_ =	swait.ge [sflag:s29], $0x1  }
0xb4: {  	[sflag:s29] =	ssyncadd.s32 $0xFFFFFFFF  }
0xb5: {  	_ =	strace $0x90000048  }
0xb6: {  	_ =	sfence  }
0xb7: {  	s30 =	sld [smem:$0x0];
	_ =	sdelay $0x2  }
0xb8: {  	s31 =	sshll.u32 s1, $0xD;
	s1 =	sshrl.u32 s1, $0x2  }
0xb9: {  	s3 =	sand.u32 $0x4000, s31;
	s1 =	sadd.s32 s1, s30  }
0xba: {  	s0 =	sor.u32 s3, s0;
	s1 =	sshll.u32 s1, $0x11  }
0xbb: {  	s0 =	sor.u32 s1, s0  }
0xbc: {  	s0 =	sadd.s32 $0x8F2B, s0  }
0xbd: {  	[sflag:s0] =	ssyncadd.remote.s32 $0x1  }
0xbe: {  	_ =	sfence.sel $0xFFFF  }
0xbf: {  	[dreg:$0x0] =	wrdreg $0xFFFFFFFF;
	(pc) =	sbr.abs _section_cstart, $3  }
0xc0: {  	[dreg:$0x1] =	wrdreg $0xFFFFFFFF  }
0xc1: {  	_ =	task.clear_ibuf [dreg:s6], $0x2FFFF;
	_ =	strace $0x9FFFFFFF  }
0xc2: {  	(tm) =	ssettm $0x7FFFFFFF  }
0xc3: {  	_ =	shalt  }
tec
execute0_lowered:
.L_overlay_start_1:
0x0: {  	(tag) =	ssettag $0x1  }
0x1: {  	v0 =	vimm.s32 $0xFEDCBA98;
	v1 =	vimm.s32 $0x76543210;
	v2 =	vimm.s32 $0xBA98FEDC  }
0x2: {  	v3 =	vimm.s32 $0x32107654;
	v4 =	vimm.s32 $0xDCFE98BA;
	v5 =	vimm.s32 $0x54761032  }
0x3: {  	v6 =	vimm.s32 $0xEFCDAB89;
	v7 =	vimm.s32 $0x67452301;
	vm0 =	vcmask $0x318  }
0x4: {  	s4 =	rddreg [dreg:$0x0];
	vm1 =	vcmask $0x718;
	vm2 =	vcmask $0xB18;
	vm3 =	vcmask $0xF18  }
0x5: {  	s1 =	rddreg [dreg:$0x1];
	vm4 =	vcmask $0x1318;
	vm5 =	vcmask $0x314;
	vm6 =	vcmask $0x714  }
0x6: {  	s0 =	rddreg [dreg:$0x2];
	vm7 =	vcmask $0xB14;
	v0 =	vunpack.c.l.s4.s8 v0;
	v1 =	vunpack.c.l.s4.s8 v1  }
0x7: {  	s2 =	stileid.u32;
	s5 =	srdreg.scid;
	v2 =	vunpack.c.l.s4.s8 v2;
	v3 =	vunpack.c.l.s4.s8 v3;
	v4 =	vunpack.c.l.s4.s8 v4  }
0x8: {  	s3 =	simm.s32 $0x0;
	s14 =	simm.s32 $0x9E0;
	s15 =	simm.s32 $0xED0;
	v5 =	vunpack.c.l.s4.s8 v5;
	v6 =	vunpack.c.l.s4.s8 v6;
	v7 =	vunpack.c.l.s4.s8 v7  }
0x9: {  	s16 =	simm.s32 $0x13C0;
	s17 =	simm.s32 $0x18B0;
	s18 =	simm.s32 $0x1;
	v0 =	vunpack.c.0.s8.s32 v0;
	v1 =	vunpack.c.0.s8.s32 v1;
	v2 =	vunpack.c.0.s8.s32 v2  }
0xa: {  	s19 =	simm.s32 $0x1DA0;
	s20 =	simm.s32 $0x2;
	s22 =	simm.s32 $0x1EB0;
	v3 =	vunpack.c.0.s8.s32 v3;
	v4 =	vunpack.c.0.s8.s32 v4;
	v5 =	vunpack.c.0.s8.s32 v5  }
0xb: {  	s23 =	simm.s32 $0x0;
	s6 =	smul.u32 $0x4F0, s2;
	s12 =	sand.u32 $0x1, s5;
	v6 =	vunpack.c.0.s8.s32 v6;
	v7 =	vunpack.c.0.s8.s32 v7;
	v0 =	vand.u32 $0xF, v0  }
0xc: {  	vm8 =	vcmask $0xF14;
	[smem:$0x7FF] =	sst s3;
	s10 =	sshll.u32 s2, $0x4;
	s5 =	ssub.s32 $0x2, s12;
	v0 =	vcombine.low v0, v1;
	v1 =	vcombine.low v3, v2  }
0xd: {  	_ =	strace $0x80000047;
	s11 =	sadd.s32 s10, s1;
	s21 =	sor.u32 s2, s12;
	v2 =	vcombine.low v5, v4;
	v3 =	vcombine.low v7, v6;
	v4 =	vlaneseq.u32  }
.Ltmp0:
0xe: {  	s6 =	sshrl.u32 s6, $0x3;
	s7 =	sshrl.u32 s5, $0x1;
	v5 =	vor.u32 $0x400, v4;
	v6 =	vor.u32 $0x410, v4;
	v7 =	vor.u32 $0x420, v4;
	(pc) =	sbr.rel .LBB2_1-.Ltmp0, $4  }
0xf: {  	p0 =	sne.s32 s21, $0x0;
	s21 =	simm.s32 $0x1DB0;
	s9 =	sadd.s32 s6, s4;
	v8 =	vor.u32 $0x430, v4;
	v9 =	vor.u32 $0x440, v4;
	v10 =	vor.u32 $0x450, v4  }
0x10: {  	s4 =	sadd.s32 $0x3800, s4;
	s13 =	ssub.s32 s5, s7;
	s5 =	sadd.s32 $0x600, s9;
	v11 =	vor.u32 $0x460, v4;
	v12 =	vor.u32 $0x470, v4;
	v13 =	vor.u32 $0x480, v4  }
0x11: {  	s6 =	sadd.s32 $0xFE0, s9;
	s7 =	sadd.s32 $0x19C0, s9;
	s8 =	sadd.s32 $0x23A0, s9;
	v14 =	vor.u32 $0x490, v4;
	v15 =	vor.u32 $0x4A0, v4;
	v16 =	vor.u32 $0x4B0, v4  }
0x12: {  	s9 =	sadd.s32 $0x2D80, s9;
	s12 =	smax.u32 s13, $0x1;
	s13 =	simm.s32 $0x4F0;
	v17 =	vor.u32 $0x4C0, v4;
	v18 =	vor.u32 $0x4D0, v4;
	v19 =	vor.u32 $0x4E0, v4  }
.LBB2_8:
0x13: {  	[hbm4b:s4+s3] =	stream.linear.scatter [tilespmem:s22], [sflag:$0x2], $0x640, $0x38;
	[tilespmem:$0x2510] =	vst v63  }
0x14: {  	_ =	swait.ge [sflag:s20], $0x640  }
0x15: {  	[sflag:s20] =	ssyncset.done $0x0  }
0x16: {  	[sflag:s20] =	ssyncadd.s32 $0xFFFFF9C0  }
.LBB2_9:
0x17: {  	s23 =	sadd.s32 $0x1, s23  }
0x18: {  	p1 =	sne.s32 s23, s12  }
.Ltmp1:
0x19: {  	_ = 	snop;
	(pc) =	sbr.rel @!p1 .LBB2_10-.Ltmp1, $1  }
0x1a: {  	_ =	sdelay $0x3  }
.LBB2_1:
0x1b: {  	[tilespmem:s3], [sflag:$0x1] =	stream.linear.gather [hbm4b:s5+s3], $0x4F0, $0x38;
	[tilespmem:$0x2510] =	vst v63  }
0x1c: {  	_ = 	snop  }
0x1d: {  	[tilespmem:s13], [sflag:$0x1] =	stream.linear.gather [hbm4b:s6+s3], $0x4F0, $0x38;
	[tilespmem:$0x2510] =	vst v63  }
0x1e: {  	_ = 	snop  }
0x1f: {  	[tilespmem:s14], [sflag:$0x1] =	stream.linear.gather [hbm4b:s7+s3], $0x4F0, $0x38;
	[tilespmem:$0x2510] =	vst v63  }
0x20: {  	_ = 	snop  }
0x21: {  	[tilespmem:s15], [sflag:$0x1] =	stream.linear.gather [hbm4b:s8+s3], $0x4F0, $0x38;
	[tilespmem:$0x2510] =	vst v63  }
0x22: {  	_ = 	snop  }
0x23: {  	[tilespmem:s16], [sflag:$0x1] =	stream.linear.gather [hbm4b:s9+s3], $0x4F0, $0x38;
	[tilespmem:$0x2510] =	vst v63  }
0x24: {  	_ = 	snop  }
0x25: {  	[tilespmem:s17], [sflag:$0x1] =	stream.linear.gather [hbm4b:s9+s3], $0x4F0, $0x38;
	[tilespmem:$0x2510] =	vst v63  }
0x26: {  	_ =	swait.ge [sflag:s18], $0x4F0  }
0x27: {  	[sflag:s18] =	ssyncset.done $0x0  }
0x28: {  	[sflag:s18] =	ssyncadd.s32 $0xFFFFFB10  }
0x29: {  	_ =	swait.ge [sflag:s18], $0x4F0  }
0x2a: {  	[sflag:s18] =	ssyncset.done $0x0  }
0x2b: {  	[sflag:s18] =	ssyncadd.s32 $0xFFFFFB10  }
0x2c: {  	_ =	swait.ge [sflag:s18], $0x4F0  }
0x2d: {  	[sflag:s18] =	ssyncset.done $0x0  }
0x2e: {  	[sflag:s18] =	ssyncadd.s32 $0xFFFFFB10  }
0x2f: {  	_ =	swait.ge [sflag:s18], $0x4F0  }
0x30: {  	[sflag:s18] =	ssyncset.done $0x0  }
0x31: {  	[sflag:s18] =	ssyncadd.s32 $0xFFFFFB10  }
0x32: {  	_ =	swait.ge [sflag:s18], $0x4F0  }
0x33: {  	[sflag:s18] =	ssyncset.done $0x0  }
0x34: {  	[sflag:s18] =	ssyncadd.s32 $0xFFFFFB10  }
0x35: {  	_ =	swait.ge [sflag:s18], $0x4F0  }
0x36: {  	[sflag:s18] =	ssyncset.done $0x0  }
0x37: {  	s26 =	simm.s32 $0x0;
	[sflag:s18] =	ssyncadd.s32 $0xFFFFFB10  }
0x38: {  	v20 =	vld [tilespmem:s26+$0x0]  }
0x39: {  	v21 =	vld [tilespmem:s26+$0x9E0]  }
0x3a: {  	v22 =	vld [tilespmem:s26+$0x4F0]  }
0x3b: {  	v23 =	vld [tilespmem:s26+$0xED0];
	_ =	sdelay $0x1  }
0x3c: {  	s24 =	simm.s32 $0x10  }
0x3d: {  	v24 =	vld [tilespmem:s24+$0x0]  }
0x3e: {  	v28 =	vld [tilespmem:s24+$0x4F0]  }
0x3f: {  	v27 =	vld [tilespmem:s24+$0x9E0];
	v25 =	vsub.f32 v21, v20;
	v26 =	vsub.f32 v23, v22;
	v20 =	vmax.f32 v20, $0.0e+00  }
0x40: {  	v29 =	vld [tilespmem:s24+$0xED0];
	v22 =	vmax.f32 v22, $0.0e+00;
	v21 =	vmin.f32 v21, $0.0e+00;
	v23 =	vmin.f32 v23, $0.0e+00  }
0x41: {  	v20 =	vsub.f32 v21, v20;
	v21 =	vsub.f32 v23, v22  }
0x42: {  	s25 =	simm.s32 $0x20;
	v22 =	vmul.f32 v26, v25  }
0x43: {  	v30 =	vmax.f32 v28, $0.0e+00;
	v25 =	vld [tilespmem:s25+$0x0];
	v20 =	vmax.f32 v20, $0.0e+00;
	v21 =	vmax.f32 v21, $0.0e+00  }
0x44: {  	v23 =	vsub.f32 v27, v24;
	v31 =	vmul.f32 v21, v20;
	v20 =	vadd.f32 $0.0e+00, v22;
	v21 =	vld [tilespmem:s25+$0x9E0]  }
0x45: {  	v24 =	vmax.f32 v24, $0.0e+00;
	v26 =	vsub.f32 v29, v28;
	v28 =	vmin.f32 v27, $0.0e+00;
	v27 =	vld [tilespmem:s26+$0x13C0]  }
0x46: {  	v29 =	vmin.f32 v29, $0.0e+00;
	v28 =	vsub.f32 v28, v24;
	v24 =	vld [tilespmem:s25+$0xED0];
	v32 =	vsub.f32 v20, v31  }
0x47: {  	v29 =	vsub.f32 v29, v30;
	v22 =	vld [tilespmem:s25+$0x4F0]  }
0x48: {  	s28 =	simm.s32 $0xC0;
	v20 =	vimm.f32 $-Inf;
	v31 =	vadd.f32 v31, v31;
	v30 =	vadd.f32 $9.999999710e-10, v32  }
.LBB2_2:
0x49: {  	s29 =	sshra.s32 s28, $0x2;
	p1 =	sne.s32 s28, $0x1380;
	v26 =	vmul.f32 v26, v23;
	v23 =	vsub.f32 v21, v25;
	v32 =	vmov v21  }
0x4a: {  	v28 =	vmax.f32 v28, $0.0e+00;
	v29 =	vmax.f32 v29, $0.0e+00;
	v33 =	vld [tilespmem:s29+$0x0];
	vm9 =	vgt.f32 v31, v30  }
.Ltmp2:
0x4b: {  	v31 =	vmul.f32 v29, v28;
	v21 =	vld [tilespmem:s29+$0x9E0];
	v28 =	vadd.f32 $0.0e+00, v26;
	v30 =	vsel vm9, $0xF149F2CA, v27;
	(pc) =	sbr.rel @p1 .LBB2_2-.Ltmp2, $4  }
0x4c: {  	v25 =	vmax.f32 v25, $0.0e+00;
	v29 =	vmax.f32 v22, $0.0e+00;
	v26 =	vsub.f32 v24, v22;
	v22 =	vld [tilespmem:s29+$0x4F0];
	[tilespmem:s26+$0x13C0] =	vst v30;
	s26 =	smov.u32 s24;
	s24 =	smov.u32 s25;
	s25 =	smov.u32 s29  }
0x4d: {  	v32 =	vmin.f32 v32, $0.0e+00;
	v34 =	vmin.f32 v24, $0.0e+00;
	v27 =	vld [tilespmem:s26+$0x13C0];
	v35 =	vsub.f32 v28, v31  }
0x4e: {  	v20 =	vmax.f32 v20, v30;
	v28 =	vsub.f32 v32, v25;
	v29 =	vsub.f32 v34, v29;
	v24 =	vld [tilespmem:s25+$0xED0]  }
0x4f: {  	s28 =	sadd.s32 $0x40, s28;
	v31 =	vadd.f32 v31, v31;
	v30 =	vadd.f32 $9.999999710e-10, v35;
	v25 =	vmov v33  }
0x50: {  	v32 =	vsub.f32 v21, v25;
	v23 =	vmul.f32 v26, v23  }
0x51: {  	v26 =	vmax.f32 v28, $0.0e+00;
	v61 =	vmax.f32 v29, $0.0e+00;
	vm9 =	vgt.f32 v31, v30  }
0x52: {  	v26 =	vmul.f32 v61, v26;
	v23 =	vadd.f32 $0.0e+00, v23;
	v27 =	vsel vm9, $0xF149F2CA, v27  }
0x53: {  	v25 =	vmax.f32 v25, $0.0e+00;
	v21 =	vmin.f32 v21, $0.0e+00;
	v62 =	vsub.f32 v24, v22;
	[tilespmem:s26+$0x13C0] =	vst v27  }
0x54: {  	v22 =	vmax.f32 v22, $0.0e+00;
	v24 =	vmin.f32 v24, $0.0e+00;
	v63 =	vld [tilespmem:s24+$0x13C0];
	v23 =	vsub.f32 v23, v26  }
0x55: {  	v21 =	vsub.f32 v21, v25;
	v22 =	vsub.f32 v24, v22  }
0x56: {  	v24 =	vadd.f32 v26, v26;
	v23 =	vadd.f32 $9.999999710e-10, v23  }
0x57: {  	v25 =	vmul.f32 v62, v32  }
0x58: {  	v21 =	vmax.f32 v21, $0.0e+00;
	v22 =	vmax.f32 v22, $0.0e+00;
	vm9 =	vgt.f32 v24, v23  }
0x59: {  	v21 =	vmul.f32 v22, v21;
	v22 =	vadd.f32 $0.0e+00, v25;
	v23 =	vsel vm9, $0xF149F2CA, v63  }
0x5a: {  	[tilespmem:s24+$0x13C0] =	vst v23  }
0x5b: {  	v22 =	vsub.f32 v22, v21;
	v24 =	vld [tilespmem:s25+$0x13C0];
	_ =	sdelay $0x1  }
0x5c: {  	v21 =	vadd.f32 v21, v21;
	v22 =	vadd.f32 $9.999999710e-10, v22;
	_ =	sdelay $0x1  }
0x5d: {  	v20 =	vmax.f32 v20, v27;
	vm9 =	vgt.f32 v21, v22  }
0x5e: {  	v20 =	vmax.f32 v20, v23;
	v21 =	vsel vm9, $0xF149F2CA, v24  }
0x5f: {  	v20 =	vmax.f32 v20, v21  }
0x60: {  	v22 =	vperm.xlane v20, v0;
	_ =	sdelay $0x1  }
0x61: {  	v20 =	vmax.f32 v20, v22  }
0x62: {  	v22 =	vperm.xlane v20, v1;
	_ =	sdelay $0x1  }
0x63: {  	v20 =	vmax.f32 v20, v22  }
0x64: {  	s26 =	simm.s32 $0x1440;
	[tilespmem:s25+$0x13C0] =	vst v21;
	v21 =	vperm.xlane v20, v2  }
0x65: {  	v22 =	vld [tilespmem:s26+$0xFFFFFF80]  }
0x66: {  	v20 =	vmax.f32 v20, v21  }
0x67: {  	v23 =	vld [tilespmem:s26+$0xFFFFFF90];
	v21 =	vperm.xlane v20, v3;
	_ =	sdelay $0x1  }
0x68: {  	s29 =	simm.s32 $0x0;
	v20 =	vmax.f32 v20, v21;
	v21 =	vld [tilespmem:s26+$0xFFFFFFA0]  }
0x69: {  	vm9 =	veq.f32 v22, v20;
	v22 =	vor.u32 s29, v4  }
0x6a: {  	s30 =	simm.s32 $0x10;
	v24 =	vimm.s32 $0x40000000;
	v25 =	vld [tilespmem:s26+$0xFFFFFFB0];
	v22 =	vnsel vm9, $0x40000000, v22  }
0x6b: {  	vm10 =	veq.f32 v23, v20;
	v23 =	vor.u32 s30, v4;
	vm9 =	vlt.s32 v24, v22  }
0x6c: {  	s31 =	simm.s32 $0x20;
	v23 =	vnsel vm10, $0x40000000, v23;
	v22 =	vsel vm9, v24, v22;
	v24 =	vld [tilespmem:s26+$0xFFFFFFC0]  }
0x6d: {  	vm9 =	vlt.s32 v22, v23;
	vm10 =	veq.f32 v21, v20;
	v21 =	vor.u32 s31, v4  }
0x6e: {  	s25 =	simm.s32 $0x30;
	v22 =	vsel vm9, v22, v23;
	v21 =	vnsel vm10, $0x40000000, v21;
	v23 =	vld [tilespmem:s26+$0xFFFFFFD0]  }
0x6f: {  	vm10 =	veq.f32 v25, v20;
	v25 =	vor.u32 s25, v4;
	vm9 =	vlt.s32 v22, v21  }
0x70: {  	s28 =	simm.s32 $0x40;
	v21 =	vsel vm9, v22, v21;
	v22 =	vnsel vm10, $0x40000000, v25;
	v25 =	vld [tilespmem:s26+$0xFFFFFFE0]  }
0x71: {  	vm9 =	vlt.s32 v21, v22;
	vm10 =	veq.f32 v24, v20;
	v24 =	vor.u32 s28, v4  }
0x72: {  	s29 =	simm.s32 $0x50;
	v21 =	vsel vm9, v21, v22;
	v22 =	vnsel vm10, $0x40000000, v24;
	v24 =	vld [tilespmem:s26+$0xFFFFFFF0]  }
0x73: {  	vm9 =	vlt.s32 v21, v22;
	vm10 =	veq.f32 v23, v20;
	v23 =	vor.u32 s29, v4  }
0x74: {  	s30 =	simm.s32 $0x60;
	v21 =	vsel vm9, v21, v22;
	v22 =	vnsel vm10, $0x40000000, v23;
	v23 =	vld [tilespmem:s26+$0x0]  }
0x75: {  	vm9 =	vlt.s32 v21, v22;
	vm10 =	veq.f32 v25, v20;
	v25 =	vor.u32 s30, v4  }
0x76: {  	s31 =	simm.s32 $0x70;
	v21 =	vsel vm9, v21, v22;
	v22 =	vnsel vm10, $0x40000000, v25;
	v25 =	vld [tilespmem:s26+$0x10]  }
0x77: {  	vm9 =	vlt.s32 v21, v22;
	vm10 =	veq.f32 v24, v20;
	v24 =	vor.u32 s31, v4  }
0x78: {  	s25 =	simm.s32 $0x80;
	v21 =	vsel vm9, v21, v22;
	v22 =	vnsel vm10, $0x40000000, v24;
	v24 =	vld [tilespmem:s26+$0x20]  }
0x79: {  	vm9 =	vlt.s32 v21, v22;
	vm10 =	veq.f32 v23, v20;
	v23 =	vor.u32 s25, v4  }
0x7a: {  	s28 =	simm.s32 $0x90;
	v21 =	vsel vm9, v21, v22;
	v22 =	vnsel vm10, $0x40000000, v23;
	v23 =	vld [tilespmem:s26+$0x30]  }
0x7b: {  	vm9 =	vlt.s32 v21, v22;
	vm10 =	veq.f32 v25, v20;
	v25 =	vor.u32 s28, v4  }
0x7c: {  	s29 =	simm.s32 $0xA0;
	v21 =	vsel vm9, v21, v22;
	v22 =	vnsel vm10, $0x40000000, v25;
	v25 =	vld [tilespmem:s26+$0x40]  }
0x7d: {  	vm9 =	vlt.s32 v21, v22;
	vm10 =	veq.f32 v24, v20;
	v24 =	vor.u32 s29, v4  }
0x7e: {  	v26 =	vld [tilespmem:s26+$0x50];
	s30 =	simm.s32 $0xB0;
	v21 =	vsel vm9, v21, v22;
	v22 =	vnsel vm10, $0x40000000, v24  }
0x7f: {  	vm9 =	vlt.s32 v21, v22;
	vm10 =	veq.f32 v23, v20;
	v23 =	vor.u32 s30, v4  }
0x80: {  	s31 =	simm.s32 $0xC0;
	v22 =	vsel vm9, v21, v22;
	v23 =	vnsel vm10, $0x40000000, v23;
	v21 =	vld [tilespmem:s26+$0x60]  }
0x81: {  	v24 =	vor.u32 s31, v4;
	vm9 =	vlt.s32 v22, v23;
	vm10 =	veq.f32 v25, v20  }
0x82: {  	s28 =	simm.s32 $0xD0;
	v23 =	vsel vm9, v22, v23;
	v24 =	vnsel vm10, $0x40000000, v24;
	v22 =	vld [tilespmem:s26+$0x70]  }
0x83: {  	s24 =	simm.s32 $0xF0;
	s25 =	simm.s32 $0x0;
	v25 =	vor.u32 s28, v4;
	vm10 =	veq.f32 v26, v20;
	s26 =	simm.s32 $0x1540;
	vm9 =	vlt.s32 v23, v24  }
.LBB2_4:
0x84: {  	v26 =	vld [tilespmem:s26+$0xFFFFFF80];
	s25 =	sadd.s32 $0x10, s25;
	v23 =	vsel vm9, v23, v24;
	v24 =	vnsel vm10, $0x40000000, v25;
	s28 =	sadd.s32 $0xFFFFFFF0, s24  }
0x85: {  	p1 =	slt.u32 s25, $0x30;
	vm9 =	vlt.s32 v23, v24;
	vm10 =	veq.f32 v21, v20;
	v21 =	vor.u32 s28, v4  }
0x86: {  	v25 =	vld [tilespmem:s26+$0xFFFFFF90];
	v23 =	vsel vm9, v23, v24;
	v21 =	vnsel vm10, $0x40000000, v21  }
0x87: {  	vm9 =	vlt.s32 v23, v21;
	vm10 =	veq.f32 v22, v20;
	v22 =	vor.u32 s24, v4;
	s24 =	sadd.s32 $0x100, s24  }
0x88: {  	s28 =	sadd.s32 $0xFFFFFF10, s24;
	v24 =	vld [tilespmem:s26+$0xFFFFFFA0];
	v21 =	vsel vm9, v23, v21;
	v22 =	vnsel vm10, $0x40000000, v22  }
0x89: {  	vm9 =	veq.f32 v26, v20;
	v23 =	vor.u32 s28, v4;
	vm10 =	vlt.s32 v21, v22  }
0x8a: {  	s28 =	sadd.s32 $0xFFFFFF20, s24;
	v23 =	vnsel vm9, $0x40000000, v23;
	v26 =	vld [tilespmem:s26+$0xFFFFFFB0];
	v21 =	vsel vm10, v21, v22  }
0x8b: {  	v22 =	vor.u32 s28, v4;
	vm9 =	vlt.s32 v21, v23;
	vm10 =	veq.f32 v25, v20  }
0x8c: {  	s28 =	sadd.s32 $0xFFFFFF30, s24;
	v21 =	vsel vm9, v21, v23;
	v22 =	vnsel vm10, $0x40000000, v22;
	v23 =	vld [tilespmem:s26+$0xFFFFFFC0]  }
0x8d: {  	vm9 =	vlt.s32 v21, v22;
	vm10 =	veq.f32 v24, v20;
	v24 =	vor.u32 s28, v4  }
0x8e: {  	s28 =	sadd.s32 $0xFFFFFF40, s24;
	v21 =	vsel vm9, v21, v22;
	v22 =	vnsel vm10, $0x40000000, v24;
	v24 =	vld [tilespmem:s26+$0xFFFFFFD0]  }
0x8f: {  	v25 =	vor.u32 s28, v4;
	vm9 =	vlt.s32 v21, v22;
	vm10 =	veq.f32 v26, v20  }
0x90: {  	s28 =	sadd.s32 $0xFFFFFF50, s24;
	v21 =	vsel vm9, v21, v22;
	v22 =	vnsel vm10, $0x40000000, v25;
	v25 =	vld [tilespmem:s26+$0xFFFFFFE0]  }
0x91: {  	vm9 =	vlt.s32 v21, v22;
	vm10 =	veq.f32 v23, v20;
	v23 =	vor.u32 s28, v4  }
0x92: {  	s28 =	sadd.s32 $0xFFFFFF60, s24;
	v21 =	vsel vm9, v21, v22;
	v22 =	vnsel vm10, $0x40000000, v23;
	v23 =	vld [tilespmem:s26+$0xFFFFFFF0]  }
0x93: {  	vm9 =	vlt.s32 v21, v22;
	vm10 =	veq.f32 v24, v20;
	v24 =	vor.u32 s28, v4  }
0x94: {  	s28 =	sadd.s32 $0xFFFFFF70, s24;
	v21 =	vsel vm9, v21, v22;
	v22 =	vnsel vm10, $0x40000000, v24;
	v24 =	vld [tilespmem:s26+$0x0]  }
0x95: {  	vm9 =	vlt.s32 v21, v22;
	vm10 =	veq.f32 v25, v20;
	v25 =	vor.u32 s28, v4  }
0x96: {  	s28 =	sadd.s32 $0xFFFFFF80, s24;
	v21 =	vsel vm9, v21, v22;
	v22 =	vnsel vm10, $0x40000000, v25;
	v25 =	vld [tilespmem:s26+$0x10]  }
0x97: {  	vm9 =	vlt.s32 v21, v22;
	vm10 =	veq.f32 v23, v20;
	v23 =	vor.u32 s28, v4  }
0x98: {  	s28 =	sadd.s32 $0xFFFFFF90, s24;
	v21 =	vsel vm9, v21, v22;
	v22 =	vnsel vm10, $0x40000000, v23;
	v23 =	vld [tilespmem:s26+$0x20]  }
0x99: {  	vm9 =	vlt.s32 v21, v22;
	vm10 =	veq.f32 v24, v20;
	v24 =	vor.u32 s28, v4  }
0x9a: {  	s28 =	sadd.s32 $0xFFFFFFA0, s24;
	v21 =	vsel vm9, v21, v22;
	v22 =	vnsel vm10, $0x40000000, v24;
	v24 =	vld [tilespmem:s26+$0x30]  }
0x9b: {  	vm9 =	vlt.s32 v21, v22;
	vm10 =	veq.f32 v25, v20;
	v25 =	vor.u32 s28, v4  }
0x9c: {  	s28 =	sadd.s32 $0xFFFFFFB0, s24;
	v21 =	vsel vm9, v21, v22;
	v22 =	vnsel vm10, $0x40000000, v25;
	v25 =	vld [tilespmem:s26+$0x40]  }
0x9d: {  	vm9 =	vlt.s32 v21, v22;
	vm10 =	veq.f32 v23, v20;
	v23 =	vor.u32 s28, v4  }
0x9e: {  	s28 =	sadd.s32 $0xFFFFFFC0, s24;
	v21 =	vsel vm9, v21, v22;
	v22 =	vnsel vm10, $0x40000000, v23;
	v26 =	vld [tilespmem:s26+$0x50]  }
.Ltmp3:
0x9f: {  	v23 =	vor.u32 s28, v4;
	vm9 =	vlt.s32 v21, v22;
	vm10 =	veq.f32 v24, v20;
	(pc) =	sbr.rel @p1 .LBB2_4-.Ltmp3, $4  }
0xa0: {  	s28 =	sadd.s32 $0xFFFFFFD0, s24;
	v22 =	vsel vm9, v21, v22;
	v23 =	vnsel vm10, $0x40000000, v23;
	v21 =	vld [tilespmem:s26+$0x60]  }
0xa1: {  	v24 =	vor.u32 s28, v4;
	vm9 =	vlt.s32 v22, v23;
	vm10 =	veq.f32 v25, v20  }
0xa2: {  	s28 =	sadd.s32 $0xFFFFFFE0, s24;
	v23 =	vsel vm9, v22, v23;
	v24 =	vnsel vm10, $0x40000000, v24;
	v22 =	vld [tilespmem:s26+$0x70]  }
0xa3: {  	v25 =	vor.u32 s28, v4;
	s26 =	sadd.s32 $0x100, s26;
	vm9 =	vlt.s32 v23, v24;
	vm10 =	veq.f32 v26, v20  }
0xa4: {  	v23 =	vsel vm9, v23, v24;
	v28 =	vnsel vm10, $0x40000000, v25;
	s25 =	sadd.s32 $0xFFFFFFF0, s24;
	v29 =	vld [tilespmem:$0x17C0]  }
0xa5: {  	vm9 =	vlt.s32 v23, v28;
	vm10 =	veq.f32 v21, v20;
	v30 =	vor.u32 s25, v4  }
0xa6: {  	v31 =	vld [tilespmem:$0x17D0];
	v23 =	vsel vm9, v23, v28;
	v21 =	vnsel vm10, $0x40000000, v30  }
0xa7: {  	v32 =	vor.u32 s24, v4;
	vm9 =	vlt.s32 v23, v21;
	vm10 =	veq.f32 v22, v20  }
0xa8: {  	v33 =	vld [tilespmem:$0x17E0];
	v21 =	vsel vm9, v23, v21;
	v22 =	vnsel vm10, $0x40000000, v32  }
0xa9: {  	vm9 =	vlt.s32 v21, v22;
	vm10 =	veq.f32 v29, v20  }
0xaa: {  	v35 =	vld [tilespmem:$0x17F0];
	v21 =	vsel vm9, v21, v22;
	v34 =	vnsel vm10, $0x40000000, v5  }
0xab: {  	vm10 =	veq.f32 v31, v20;
	vm9 =	vlt.s32 v21, v34  }
0xac: {  	v37 =	vld [tilespmem:$0x1800];
	v36 =	vnsel vm10, $0x40000000, v6;
	v21 =	vsel vm9, v21, v34  }
0xad: {  	vm10 =	veq.f32 v33, v20;
	vm9 =	vlt.s32 v21, v36  }
0xae: {  	v39 =	vld [tilespmem:$0x1810];
	v38 =	vnsel vm10, $0x40000000, v7;
	v21 =	vsel vm9, v21, v36  }
0xaf: {  	vm10 =	veq.f32 v35, v20;
	vm9 =	vlt.s32 v21, v38  }
0xb0: {  	v41 =	vld [tilespmem:$0x1820];
	v40 =	vnsel vm10, $0x40000000, v8;
	v21 =	vsel vm9, v21, v38  }
0xb1: {  	vm10 =	veq.f32 v37, v20;
	vm9 =	vlt.s32 v21, v40  }
0xb2: {  	v43 =	vld [tilespmem:$0x1830];
	v42 =	vnsel vm10, $0x40000000, v9;
	v21 =	vsel vm9, v21, v40  }
0xb3: {  	vm10 =	veq.f32 v39, v20;
	vm9 =	vlt.s32 v21, v42  }
0xb4: {  	v45 =	vld [tilespmem:$0x1840];
	v44 =	vnsel vm10, $0x40000000, v10;
	v21 =	vsel vm9, v21, v42  }
0xb5: {  	vm10 =	veq.f32 v41, v20;
	vm9 =	vlt.s32 v21, v44  }
0xb6: {  	v47 =	vld [tilespmem:$0x1850];
	v46 =	vnsel vm10, $0x40000000, v11;
	v21 =	vsel vm9, v21, v44  }
0xb7: {  	vm10 =	veq.f32 v43, v20;
	vm9 =	vlt.s32 v21, v46  }
0xb8: {  	v49 =	vld [tilespmem:$0x1860];
	v48 =	vnsel vm10, $0x40000000, v12;
	v21 =	vsel vm9, v21, v46  }
0xb9: {  	vm10 =	veq.f32 v45, v20;
	vm9 =	vlt.s32 v21, v48  }
0xba: {  	v51 =	vld [tilespmem:$0x1870];
	v50 =	vnsel vm10, $0x40000000, v13;
	v21 =	vsel vm9, v21, v48  }
0xbb: {  	vm10 =	veq.f32 v47, v20;
	vm9 =	vlt.s32 v21, v50  }
0xbc: {  	v53 =	vld [tilespmem:$0x1880];
	v52 =	vnsel vm10, $0x40000000, v14;
	v21 =	vsel vm9, v21, v50  }
0xbd: {  	vm10 =	veq.f32 v49, v20;
	vm9 =	vlt.s32 v21, v52  }
0xbe: {  	v55 =	vld [tilespmem:$0x1890];
	v54 =	vnsel vm10, $0x40000000, v15;
	v21 =	vsel vm9, v21, v52  }
0xbf: {  	vm10 =	veq.f32 v51, v20;
	vm9 =	vlt.s32 v21, v54  }
0xc0: {  	v57 =	vld [tilespmem:$0x18A0];
	v56 =	vnsel vm10, $0x40000000, v16;
	v21 =	vsel vm9, v21, v54  }
0xc1: {  	vm10 =	veq.f32 v53, v20;
	vm9 =	vlt.s32 v21, v56  }
0xc2: {  	v58 =	vnsel vm10, $0x40000000, v17;
	v21 =	vsel vm9, v21, v56  }
0xc3: {  	vm10 =	veq.f32 v55, v20;
	vm9 =	vlt.s32 v21, v58  }
0xc4: {  	v59 =	vnsel vm10, $0x40000000, v18;
	v21 =	vsel vm9, v21, v58  }
0xc5: {  	vm10 =	veq.f32 v57, v20;
	vm9 =	vlt.s32 v21, v59  }
0xc6: {  	v60 =	vnsel vm10, $0x40000000, v19;
	v21 =	vsel vm9, v21, v59  }
0xc7: {  	vm9 =	vlt.s32 v21, v60  }
0xc8: {  	v21 =	vsel vm9, v21, v60  }
0xc9: {  	v22 =	vperm.xlane v21, v0;
	_ =	sdelay $0x1  }
0xca: {  	vm9 =	vlt.s32 v21, v22  }
0xcb: {  	v21 =	vsel vm9, v21, v22  }
0xcc: {  	v22 =	vperm.xlane v21, v1;
	_ =	sdelay $0x1  }
0xcd: {  	vm9 =	vlt.s32 v21, v22  }
0xce: {  	v21 =	vsel vm9, v21, v22  }
0xcf: {  	v22 =	vperm.xlane v21, v2;
	_ =	sdelay $0x1  }
0xd0: {  	vm9 =	vlt.s32 v21, v22  }
0xd1: {  	v21 =	vsel vm9, v21, v22  }
0xd2: {  	v22 =	vperm.xlane v21, v3;
	_ =	sdelay $0x1  }
0xd3: {  	vm9 =	vlt.s32 v21, v22  }
0xd4: {  	v21 =	vsel vm9, v21, v22;
	_ =	sdelay $0x3  }
0xd5: {  	s24 =	simm.s32 $0x0  }
0xd6: {  	v22 =	vld.idx.msk [tilespmem:v21+s24+$0x0], $0xffff  }
0xd7: {  	v61 =	vld.idx.msk [tilespmem:v21+s13+$0x0], $0xffff  }
0xd8: {  	v62 =	vld.idx.msk [tilespmem:v21+s14+$0x0], $0xffff  }
0xd9: {  	v63 =	vld.idx.msk [tilespmem:v21+s15+$0x0], $0xffff  }
0xda: {  	v21 =	vld.idx.msk [tilespmem:v21+s17+$0x0], $0xffff  }
0xdb: {  	v20 =	vsel vm0, v20, v22  }
0xdc: {  	v20 =	vsel vm1, v20, v61  }
0xdd: {  	v20 =	vsel vm2, v20, v62  }
0xde: {  	v20 =	vsel vm3, v20, v63  }
0xdf: {  	v20 =	vsel vm4, v20, v21  }
0xe0: {  	[tilespmem:$0x1DA0] =	vst v20  }
0xe1: {  	[spmem:s11] =	stream.linear.scatter [tilespmem:s19], [sflag:$0x2], $0x10, $0x38;
	[tilespmem:$0x2510] =	vst v63  }
0xe2: {  	_ =	swait.ge [sflag:s20], $0x10  }
0xe3: {  	[sflag:s20] =	ssyncset.done $0x0  }
0xe4: {  	[sflag:s20] =	ssyncadd.s32 $0xFFFFFFF0  }
0xe5: {  	[bflag:$0x0] =	sbarrier.arrive $0xFFFF  }
.LBB2_6:
0xe6: {  	s25 =	sand.u32 $0x1, s24  }
0xe7: {  	v20 =	vmul.u32 $0x10, v4;
	s25 =	sshll.u32 s25, $0x8  }
0xe8: {  	s26 =	sadd.s32 s25, s1  }
0xe9: {  	[tilespmem:s21], [sflag:$0x2] =	stream.linear.gather [spmem:s26], $0x100, $0x38;
	[tilespmem:$0x2510] =	vst v63  }
0xea: {  	_ =	swait.ge [sflag:s20], $0x100  }
0xeb: {  	[sflag:s20] =	ssyncset.done $0x0  }
0xec: {  	[sflag:s20] =	ssyncadd.s32 $0xFFFFFF00  }
0xed: {  	v20 =	vld.idx.msk [tilespmem:v20+s21+$0x0], $0xffff;
	_ =	sdelay $0x4  }
0xee: {  	v21 =	vperm.xlane v20, v0;
	_ =	sdelay $0x1  }
0xef: {  	v21 =	vmax.f32 v20, v21  }
0xf0: {  	v22 =	vperm.xlane v21, v1;
	_ =	sdelay $0x1  }
0xf1: {  	v21 =	vmax.f32 v21, v22  }
0xf2: {  	v22 =	vperm.xlane v21, v2;
	_ =	sdelay $0x1  }
0xf3: {  	v21 =	vmax.f32 v21, v22  }
0xf4: {  	v22 =	vperm.xlane v21, v3;
	_ =	sdelay $0x1  }
0xf5: {  	v21 =	vmax.f32 v21, v22  }
0xf6: {  	vm9 =	veq.f32 v20, v21  }
0xf7: {  	v20 =	vmctz.xlane vm9;
	_ =	sdelay $0x1  }
0xf8: {  	v24 =	vshll.u32 v20, $0x4  }
0xf9: {  	v20 =	vor.u32 $0x1, v24  }
0xfa: {  	v21 =	vor.u32 $0x2, v24  }
0xfb: {  	v25 =	vor.u32 $0x3, v24  }
0xfc: {  	v26 =	vor.u32 $0x4, v24  }
.Ltmp4:
0xfd: {  	_ = 	snop;
	(pc) =	sbr.rel @!p0 .LBB2_7-.Ltmp4, $4  }
0xfe: {  	v22 =	vld.idx.msk [tilespmem:v20+s21+$0x0], $0xffff  }
0xff: {  	v23 =	vld.idx.msk [tilespmem:v21+s21+$0x0], $0xffff  }
0x100: {  	v20 =	vld.idx.msk [tilespmem:v25+s21+$0x0], $0xffff  }
0x101: {  	v21 =	vld.idx.msk [tilespmem:v26+s21+$0x0], $0xffff  }
0x102: {  	p1 =	seq.s32 s24, $0x63  }
.Ltmp5:
0x103: {  	_ = 	snop;
	(pc) =	sbr.rel @!p1 .LBB2_12-.Ltmp5, $4  }
.Ltmp6:
0x104: {  	_ = 	snop;
	(pc) =	sbr.rel @p1 .LBB2_9-.Ltmp6, $4  }
0x105: {  	_ = 	snop  }
0x106: {  	_ = 	snop  }
0x107: {  	_ = 	snop  }
0x108: {  	_ = 	snop  }
.LBB2_7:
0x109: {  	v24 =	vor.u32 $0x5, v24;
	_ =	sdelay $0x4  }
0x10a: {  	vm9 =	vmmov $0x1;
	s26 =	sshll.u32 s24, $0x4;
	v24 =	vld.idx.msk [tilespmem:v24+s21+$0x0], $0xffff  }
0x10b: {  	p1 =	seq.s32 s24, $0x63;
	v25 =	vnsel vm9, $0x0, v22;
	v26 =	vor.u32 s26, v4  }
.Ltmp7:
0x10c: {  	v25 =	vsel vm5, v25, v23;
	(pc) =	sbr.rel @p1 .LBB2_8-.Ltmp7, $4  }
0x10d: {  	v25 =	vsel vm6, v25, v20  }
0x10e: {  	v25 =	vsel vm7, v25, v21  }
0x10f: {  	v24 =	vsel vm8, v25, v24  }
0x110: {  	[tilespmem:v26+s22+$0x0] =	vst.idx.msk $0xffff, v24  }
.LBB2_12:
0x111: {  	s29 =	simm.s32 $0x0  }
0x112: {  	v24 =	vld [tilespmem:s29+$0x0]  }
0x113: {  	v25 =	vld [tilespmem:s29+$0x9E0]  }
0x114: {  	v26 =	vld [tilespmem:s29+$0x4F0]  }
0x115: {  	v27 =	vld [tilespmem:s29+$0xED0];
	_ =	sdelay $0x1  }
0x116: {  	s26 =	simm.s32 $0x10  }
0x117: {  	v29 =	vld [tilespmem:s26+$0x0]  }
0x118: {  	v28 =	vsub.f32 v20, v22;
	v30 =	vsub.f32 v21, v23;
	v33 =	vld [tilespmem:s26+$0x4F0]  }
0x119: {  	v32 =	vld [tilespmem:s26+$0x9E0];
	v31 =	vsub.f32 v25, v24;
	v34 =	vsub.f32 v27, v26;
	v24 =	vmax.f32 v22, v24  }
0x11a: {  	v35 =	vld [tilespmem:s26+$0xED0];
	v26 =	vmax.f32 v23, v26;
	v25 =	vmin.f32 v20, v25;
	v27 =	vmin.f32 v21, v27  }
0x11b: {  	v25 =	vsub.f32 v25, v24;
	v26 =	vsub.f32 v27, v26  }
0x11c: {  	s28 =	simm.s32 $0x20;
	v24 =	vmul.f32 v30, v28;
	v27 =	vmul.f32 v34, v31  }
0x11d: {  	v62 =	vmax.f32 v23, v33;
	v30 =	vld [tilespmem:s28+$0x0];
	v25 =	vmax.f32 v25, $0.0e+00;
	v26 =	vmax.f32 v26, $0.0e+00  }
0x11e: {  	v63 =	vmin.f32 v20, v32;
	v36 =	vmul.f32 v26, v25;
	v25 =	vadd.f32 v27, v24;
	v26 =	vld [tilespmem:s28+$0x9E0]  }
0x11f: {  	v28 =	vsub.f32 v32, v29;
	v29 =	vmax.f32 v22, v29;
	v32 =	vld [tilespmem:s29+$0x13C0];
	v31 =	vsub.f32 v35, v33  }
0x120: {  	v35 =	vmin.f32 v21, v35;
	v33 =	vsub.f32 v63, v29;
	v29 =	vld [tilespmem:s28+$0xED0];
	v37 =	vsub.f32 v25, v36  }
0x121: {  	v34 =	vsub.f32 v35, v62;
	v27 =	vld [tilespmem:s28+$0x4F0]  }
0x122: {  	s30 =	simm.s32 $0xC0;
	v25 =	vimm.f32 $-Inf;
	v36 =	vadd.f32 v36, v36;
	v35 =	vadd.f32 $9.999999710e-10, v37  }
.LBB2_13:
0x123: {  	s31 =	sshra.s32 s30, $0x2;
	p1 =	sne.s32 s30, $0x1380;
	v31 =	vmul.f32 v31, v28;
	v28 =	vsub.f32 v26, v30;
	v37 =	vmov v26  }
0x124: {  	v33 =	vmax.f32 v33, $0.0e+00;
	v34 =	vmax.f32 v34, $0.0e+00;
	v38 =	vld [tilespmem:s31+$0x0];
	vm9 =	vgt.f32 v36, v35  }
.Ltmp8:
0x125: {  	v36 =	vmul.f32 v34, v33;
	v26 =	vld [tilespmem:s31+$0x9E0];
	v33 =	vadd.f32 v31, v24;
	v35 =	vsel vm9, $0xF149F2CA, v32;
	(pc) =	sbr.rel @p1 .LBB2_13-.Ltmp8, $4  }
0x126: {  	v30 =	vmax.f32 v22, v30;
	v34 =	vmax.f32 v23, v27;
	v31 =	vsub.f32 v29, v27;
	v27 =	vld [tilespmem:s31+$0x4F0];
	[tilespmem:s29+$0x13C0] =	vst v35;
	s29 =	smov.u32 s26;
	s26 =	smov.u32 s28;
	s28 =	smov.u32 s31  }
0x127: {  	v37 =	vmin.f32 v20, v37;
	v39 =	vmin.f32 v21, v29;
	v32 =	vld [tilespmem:s29+$0x13C0];
	v40 =	vsub.f32 v33, v36  }
0x128: {  	v25 =	vmax.f32 v25, v35;
	v33 =	vsub.f32 v37, v30;
	v34 =	vsub.f32 v39, v34;
	v29 =	vld [tilespmem:s28+$0xED0]  }
0x129: {  	s30 =	sadd.s32 $0x40, s30;
	v36 =	vadd.f32 v36, v36;
	v35 =	vadd.f32 $9.999999710e-10, v40;
	v30 =	vmov v38  }
0x12a: {  	v37 =	vsub.f32 v26, v30;
	v28 =	vmul.f32 v31, v28  }
0x12b: {  	v61 =	vmax.f32 v33, $0.0e+00;
	v62 =	vmax.f32 v34, $0.0e+00;
	vm9 =	vgt.f32 v36, v35  }
0x12c: {  	v31 =	vmul.f32 v62, v61;
	v28 =	vadd.f32 v28, v24;
	v32 =	vsel vm9, $0xF149F2CA, v32  }
0x12d: {  	v22 =	vmax.f32 v22, v30;
	v20 =	vmin.f32 v20, v26;
	v23 =	vmax.f32 v23, v27;
	[tilespmem:s29+$0x13C0] =	vst v32  }
0x12e: {  	v63 =	vsub.f32 v29, v27;
	v21 =	vmin.f32 v21, v29;
	v26 =	vld [tilespmem:s26+$0x13C0];
	v27 =	vsub.f32 v28, v31  }
0x12f: {  	v20 =	vsub.f32 v20, v22;
	v21 =	vsub.f32 v21, v23  }
0x130: {  	v23 =	vadd.f32 v31, v31;
	v22 =	vadd.f32 $9.999999710e-10, v27  }
0x131: {  	v27 =	vmul.f32 v63, v37  }
0x132: {  	v20 =	vmax.f32 v20, $0.0e+00;
	v21 =	vmax.f32 v21, $0.0e+00;
	vm9 =	vgt.f32 v23, v22  }
0x133: {  	v20 =	vmul.f32 v21, v20;
	v21 =	vadd.f32 v27, v24;
	v22 =	vsel vm9, $0xF149F2CA, v26  }
0x134: {  	[tilespmem:s26+$0x13C0] =	vst v22  }
0x135: {  	v21 =	vsub.f32 v21, v20;
	v23 =	vld [tilespmem:s28+$0x13C0];
	_ =	sdelay $0x1  }
0x136: {  	v20 =	vadd.f32 v20, v20;
	v21 =	vadd.f32 $9.999999710e-10, v21;
	_ =	sdelay $0x1  }
0x137: {  	v24 =	vmax.f32 v25, v32;
	vm9 =	vgt.f32 v20, v21  }
0x138: {  	v20 =	vmax.f32 v24, v22;
	v21 =	vsel vm9, $0xF149F2CA, v23  }
0x139: {  	v20 =	vmax.f32 v20, v21  }
0x13a: {  	v22 =	vperm.xlane v20, v0;
	_ =	sdelay $0x1  }
0x13b: {  	v20 =	vmax.f32 v20, v22  }
0x13c: {  	v22 =	vperm.xlane v20, v1;
	_ =	sdelay $0x1  }
0x13d: {  	v20 =	vmax.f32 v20, v22  }
0x13e: {  	s29 =	simm.s32 $0x1440;
	[tilespmem:s28+$0x13C0] =	vst v21;
	v21 =	vperm.xlane v20, v2  }
0x13f: {  	v22 =	vld [tilespmem:s29+$0xFFFFFF80]  }
0x140: {  	v20 =	vmax.f32 v20, v21  }
0x141: {  	v23 =	vld [tilespmem:s29+$0xFFFFFF90];
	v21 =	vperm.xlane v20, v3;
	_ =	sdelay $0x1  }
0x142: {  	s31 =	simm.s32 $0x0;
	v20 =	vmax.f32 v20, v21;
	v21 =	vld [tilespmem:s29+$0xFFFFFFA0]  }
0x143: {  	vm9 =	veq.f32 v22, v20;
	v22 =	vor.u32 s31, v4  }
0x144: {  	s30 =	simm.s32 $0x10;
	v24 =	vimm.s32 $0x40000000;
	v25 =	vld [tilespmem:s29+$0xFFFFFFB0];
	v22 =	vnsel vm9, $0x40000000, v22  }
0x145: {  	vm10 =	veq.f32 v23, v20;
	v23 =	vor.u32 s30, v4;
	vm9 =	vlt.s32 v24, v22  }
0x146: {  	s31 =	simm.s32 $0x20;
	v23 =	vnsel vm10, $0x40000000, v23;
	v22 =	vsel vm9, v24, v22;
	v24 =	vld [tilespmem:s29+$0xFFFFFFC0]  }
0x147: {  	vm9 =	vlt.s32 v22, v23;
	vm10 =	veq.f32 v21, v20;
	v21 =	vor.u32 s31, v4  }
0x148: {  	s30 =	simm.s32 $0x30;
	v22 =	vsel vm9, v22, v23;
	v21 =	vnsel vm10, $0x40000000, v21;
	v23 =	vld [tilespmem:s29+$0xFFFFFFD0]  }
0x149: {  	vm10 =	veq.f32 v25, v20;
	v25 =	vor.u32 s30, v4;
	vm9 =	vlt.s32 v22, v21  }
0x14a: {  	s31 =	simm.s32 $0x40;
	v21 =	vsel vm9, v22, v21;
	v22 =	vnsel vm10, $0x40000000, v25;
	v25 =	vld [tilespmem:s29+$0xFFFFFFE0]  }
0x14b: {  	vm9 =	vlt.s32 v21, v22;
	vm10 =	veq.f32 v24, v20;
	v24 =	vor.u32 s31, v4  }
0x14c: {  	s30 =	simm.s32 $0x50;
	v21 =	vsel vm9, v21, v22;
	v22 =	vnsel vm10, $0x40000000, v24;
	v24 =	vld [tilespmem:s29+$0xFFFFFFF0]  }
0x14d: {  	vm9 =	vlt.s32 v21, v22;
	vm10 =	veq.f32 v23, v20;
	v23 =	vor.u32 s30, v4  }
0x14e: {  	s31 =	simm.s32 $0x60;
	v21 =	vsel vm9, v21, v22;
	v22 =	vnsel vm10, $0x40000000, v23;
	v23 =	vld [tilespmem:s29+$0x0]  }
0x14f: {  	vm9 =	vlt.s32 v21, v22;
	vm10 =	veq.f32 v25, v20;
	v25 =	vor.u32 s31, v4  }
0x150: {  	s30 =	simm.s32 $0x70;
	v21 =	vsel vm9, v21, v22;
	v22 =	vnsel vm10, $0x40000000, v25;
	v25 =	vld [tilespmem:s29+$0x10]  }
0x151: {  	vm9 =	vlt.s32 v21, v22;
	vm10 =	veq.f32 v24, v20;
	v24 =	vor.u32 s30, v4  }
0x152: {  	s31 =	simm.s32 $0x80;
	v21 =	vsel vm9, v21, v22;
	v22 =	vnsel vm10, $0x40000000, v24;
	v24 =	vld [tilespmem:s29+$0x20]  }
0x153: {  	vm9 =	vlt.s32 v21, v22;
	vm10 =	veq.f32 v23, v20;
	v23 =	vor.u32 s31, v4  }
0x154: {  	s30 =	simm.s32 $0x90;
	v21 =	vsel vm9, v21, v22;
	v22 =	vnsel vm10, $0x40000000, v23;
	v23 =	vld [tilespmem:s29+$0x30]  }
0x155: {  	vm9 =	vlt.s32 v21, v22;
	vm10 =	veq.f32 v25, v20;
	v25 =	vor.u32 s30, v4  }
0x156: {  	s31 =	simm.s32 $0xA0;
	v21 =	vsel vm9, v21, v22;
	v22 =	vnsel vm10, $0x40000000, v25;
	v25 =	vld [tilespmem:s29+$0x40]  }
0x157: {  	vm9 =	vlt.s32 v21, v22;
	vm10 =	veq.f32 v24, v20;
	v24 =	vor.u32 s31, v4  }
0x158: {  	v26 =	vld [tilespmem:s29+$0x50];
	s30 =	simm.s32 $0xB0;
	v21 =	vsel vm9, v21, v22;
	v22 =	vnsel vm10, $0x40000000, v24  }
0x159: {  	vm9 =	vlt.s32 v21, v22;
	vm10 =	veq.f32 v23, v20;
	v23 =	vor.u32 s30, v4  }
0x15a: {  	s31 =	simm.s32 $0xC0;
	v22 =	vsel vm9, v21, v22;
	v23 =	vnsel vm10, $0x40000000, v23;
	v21 =	vld [tilespmem:s29+$0x60]  }
0x15b: {  	v24 =	vor.u32 s31, v4;
	vm9 =	vlt.s32 v22, v23;
	vm10 =	veq.f32 v25, v20  }
0x15c: {  	s30 =	simm.s32 $0xD0;
	v23 =	vsel vm9, v22, v23;
	v24 =	vnsel vm10, $0x40000000, v24;
	v22 =	vld [tilespmem:s29+$0x70]  }
0x15d: {  	s26 =	simm.s32 $0xF0;
	s28 =	simm.s32 $0x0;
	v25 =	vor.u32 s30, v4;
	vm10 =	veq.f32 v26, v20;
	s29 =	simm.s32 $0x1540;
	vm9 =	vlt.s32 v23, v24  }
.LBB2_15:
0x15e: {  	v26 =	vld [tilespmem:s29+$0xFFFFFF80];
	s28 =	sadd.s32 $0x10, s28;
	v23 =	vsel vm9, v23, v24;
	v24 =	vnsel vm10, $0x40000000, v25;
	s30 =	sadd.s32 $0xFFFFFFF0, s26  }
0x15f: {  	p1 =	slt.u32 s28, $0x30;
	vm9 =	vlt.s32 v23, v24;
	vm10 =	veq.f32 v21, v20;
	v21 =	vor.u32 s30, v4  }
0x160: {  	v25 =	vld [tilespmem:s29+$0xFFFFFF90];
	v23 =	vsel vm9, v23, v24;
	v21 =	vnsel vm10, $0x40000000, v21  }
0x161: {  	vm9 =	vlt.s32 v23, v21;
	vm10 =	veq.f32 v22, v20;
	v22 =	vor.u32 s26, v4;
	s26 =	sadd.s32 $0x100, s26  }
0x162: {  	s30 =	sadd.s32 $0xFFFFFF10, s26;
	v24 =	vld [tilespmem:s29+$0xFFFFFFA0];
	v21 =	vsel vm9, v23, v21;
	v22 =	vnsel vm10, $0x40000000, v22  }
0x163: {  	vm9 =	veq.f32 v26, v20;
	v23 =	vor.u32 s30, v4;
	vm10 =	vlt.s32 v21, v22  }
0x164: {  	s30 =	sadd.s32 $0xFFFFFF20, s26;
	v23 =	vnsel vm9, $0x40000000, v23;
	v26 =	vld [tilespmem:s29+$0xFFFFFFB0];
	v21 =	vsel vm10, v21, v22  }
0x165: {  	v22 =	vor.u32 s30, v4;
	vm9 =	vlt.s32 v21, v23;
	vm10 =	veq.f32 v25, v20  }
0x166: {  	s30 =	sadd.s32 $0xFFFFFF30, s26;
	v21 =	vsel vm9, v21, v23;
	v22 =	vnsel vm10, $0x40000000, v22;
	v23 =	vld [tilespmem:s29+$0xFFFFFFC0]  }
0x167: {  	vm9 =	vlt.s32 v21, v22;
	vm10 =	veq.f32 v24, v20;
	v24 =	vor.u32 s30, v4  }
0x168: {  	s30 =	sadd.s32 $0xFFFFFF40, s26;
	v21 =	vsel vm9, v21, v22;
	v22 =	vnsel vm10, $0x40000000, v24;
	v24 =	vld [tilespmem:s29+$0xFFFFFFD0]  }
0x169: {  	v25 =	vor.u32 s30, v4;
	vm9 =	vlt.s32 v21, v22;
	vm10 =	veq.f32 v26, v20  }
0x16a: {  	s30 =	sadd.s32 $0xFFFFFF50, s26;
	v21 =	vsel vm9, v21, v22;
	v22 =	vnsel vm10, $0x40000000, v25;
	v25 =	vld [tilespmem:s29+$0xFFFFFFE0]  }
0x16b: {  	vm9 =	vlt.s32 v21, v22;
	vm10 =	veq.f32 v23, v20;
	v23 =	vor.u32 s30, v4  }
0x16c: {  	s30 =	sadd.s32 $0xFFFFFF60, s26;
	v21 =	vsel vm9, v21, v22;
	v22 =	vnsel vm10, $0x40000000, v23;
	v23 =	vld [tilespmem:s29+$0xFFFFFFF0]  }
0x16d: {  	vm9 =	vlt.s32 v21, v22;
	vm10 =	veq.f32 v24, v20;
	v24 =	vor.u32 s30, v4  }
0x16e: {  	s30 =	sadd.s32 $0xFFFFFF70, s26;
	v21 =	vsel vm9, v21, v22;
	v22 =	vnsel vm10, $0x40000000, v24;
	v24 =	vld [tilespmem:s29+$0x0]  }
0x16f: {  	vm9 =	vlt.s32 v21, v22;
	vm10 =	veq.f32 v25, v20;
	v25 =	vor.u32 s30, v4  }
0x170: {  	s30 =	sadd.s32 $0xFFFFFF80, s26;
	v21 =	vsel vm9, v21, v22;
	v22 =	vnsel vm10, $0x40000000, v25;
	v25 =	vld [tilespmem:s29+$0x10]  }
0x171: {  	vm9 =	vlt.s32 v21, v22;
	vm10 =	veq.f32 v23, v20;
	v23 =	vor.u32 s30, v4  }
0x172: {  	s30 =	sadd.s32 $0xFFFFFF90, s26;
	v21 =	vsel vm9, v21, v22;
	v22 =	vnsel vm10, $0x40000000, v23;
	v23 =	vld [tilespmem:s29+$0x20]  }
0x173: {  	vm9 =	vlt.s32 v21, v22;
	vm10 =	veq.f32 v24, v20;
	v24 =	vor.u32 s30, v4  }
0x174: {  	s30 =	sadd.s32 $0xFFFFFFA0, s26;
	v21 =	vsel vm9, v21, v22;
	v22 =	vnsel vm10, $0x40000000, v24;
	v24 =	vld [tilespmem:s29+$0x30]  }
0x175: {  	vm9 =	vlt.s32 v21, v22;
	vm10 =	veq.f32 v25, v20;
	v25 =	vor.u32 s30, v4  }
0x176: {  	s30 =	sadd.s32 $0xFFFFFFB0, s26;
	v21 =	vsel vm9, v21, v22;
	v22 =	vnsel vm10, $0x40000000, v25;
	v25 =	vld [tilespmem:s29+$0x40]  }
0x177: {  	vm9 =	vlt.s32 v21, v22;
	vm10 =	veq.f32 v23, v20;
	v23 =	vor.u32 s30, v4  }
0x178: {  	s30 =	sadd.s32 $0xFFFFFFC0, s26;
	v21 =	vsel vm9, v21, v22;
	v22 =	vnsel vm10, $0x40000000, v23;
	v26 =	vld [tilespmem:s29+$0x50]  }
.Ltmp9:
0x179: {  	v23 =	vor.u32 s30, v4;
	vm9 =	vlt.s32 v21, v22;
	vm10 =	veq.f32 v24, v20;
	(pc) =	sbr.rel @p1 .LBB2_15-.Ltmp9, $4  }
0x17a: {  	s30 =	sadd.s32 $0xFFFFFFD0, s26;
	v22 =	vsel vm9, v21, v22;
	v23 =	vnsel vm10, $0x40000000, v23;
	v21 =	vld [tilespmem:s29+$0x60]  }
0x17b: {  	v24 =	vor.u32 s30, v4;
	vm9 =	vlt.s32 v22, v23;
	vm10 =	veq.f32 v25, v20  }
0x17c: {  	s30 =	sadd.s32 $0xFFFFFFE0, s26;
	v23 =	vsel vm9, v22, v23;
	v24 =	vnsel vm10, $0x40000000, v24;
	v22 =	vld [tilespmem:s29+$0x70]  }
0x17d: {  	v25 =	vor.u32 s30, v4;
	s29 =	sadd.s32 $0x100, s29;
	vm9 =	vlt.s32 v23, v24;
	vm10 =	veq.f32 v26, v20  }
0x17e: {  	v23 =	vsel vm9, v23, v24;
	v28 =	vnsel vm10, $0x40000000, v25;
	s28 =	sadd.s32 $0xFFFFFFF0, s26;
	v29 =	vld [tilespmem:$0x17C0]  }
0x17f: {  	vm9 =	vlt.s32 v23, v28;
	vm10 =	veq.f32 v21, v20;
	v30 =	vor.u32 s28, v4  }
0x180: {  	v31 =	vld [tilespmem:$0x17D0];
	v23 =	vsel vm9, v23, v28;
	v21 =	vnsel vm10, $0x40000000, v30  }
0x181: {  	v32 =	vor.u32 s26, v4;
	vm9 =	vlt.s32 v23, v21;
	vm10 =	veq.f32 v22, v20  }
0x182: {  	v33 =	vld [tilespmem:$0x17E0];
	v21 =	vsel vm9, v23, v21;
	v22 =	vnsel vm10, $0x40000000, v32  }
0x183: {  	vm9 =	vlt.s32 v21, v22;
	vm10 =	veq.f32 v29, v20  }
0x184: {  	v35 =	vld [tilespmem:$0x17F0];
	v21 =	vsel vm9, v21, v22;
	v34 =	vnsel vm10, $0x40000000, v5  }
0x185: {  	vm10 =	veq.f32 v31, v20;
	vm9 =	vlt.s32 v21, v34  }
0x186: {  	v37 =	vld [tilespmem:$0x1800];
	v36 =	vnsel vm10, $0x40000000, v6;
	v21 =	vsel vm9, v21, v34  }
0x187: {  	vm10 =	veq.f32 v33, v20;
	vm9 =	vlt.s32 v21, v36  }
0x188: {  	v39 =	vld [tilespmem:$0x1810];
	v38 =	vnsel vm10, $0x40000000, v7;
	v21 =	vsel vm9, v21, v36  }
0x189: {  	vm10 =	veq.f32 v35, v20;
	vm9 =	vlt.s32 v21, v38  }
0x18a: {  	v41 =	vld [tilespmem:$0x1820];
	v40 =	vnsel vm10, $0x40000000, v8;
	v21 =	vsel vm9, v21, v38  }
0x18b: {  	vm10 =	veq.f32 v37, v20;
	vm9 =	vlt.s32 v21, v40  }
0x18c: {  	v43 =	vld [tilespmem:$0x1830];
	v42 =	vnsel vm10, $0x40000000, v9;
	v21 =	vsel vm9, v21, v40  }
0x18d: {  	vm10 =	veq.f32 v39, v20;
	vm9 =	vlt.s32 v21, v42  }
0x18e: {  	v45 =	vld [tilespmem:$0x1840];
	v44 =	vnsel vm10, $0x40000000, v10;
	v21 =	vsel vm9, v21, v42  }
0x18f: {  	vm10 =	veq.f32 v41, v20;
	vm9 =	vlt.s32 v21, v44  }
0x190: {  	v47 =	vld [tilespmem:$0x1850];
	v46 =	vnsel vm10, $0x40000000, v11;
	v21 =	vsel vm9, v21, v44  }
0x191: {  	vm10 =	veq.f32 v43, v20;
	vm9 =	vlt.s32 v21, v46  }
0x192: {  	v49 =	vld [tilespmem:$0x1860];
	v48 =	vnsel vm10, $0x40000000, v12;
	v21 =	vsel vm9, v21, v46  }
0x193: {  	vm10 =	veq.f32 v45, v20;
	vm9 =	vlt.s32 v21, v48  }
0x194: {  	v51 =	vld [tilespmem:$0x1870];
	v50 =	vnsel vm10, $0x40000000, v13;
	v21 =	vsel vm9, v21, v48  }
0x195: {  	vm10 =	veq.f32 v47, v20;
	vm9 =	vlt.s32 v21, v50  }
0x196: {  	v53 =	vld [tilespmem:$0x1880];
	v52 =	vnsel vm10, $0x40000000, v14;
	v21 =	vsel vm9, v21, v50  }
0x197: {  	vm10 =	veq.f32 v49, v20;
	vm9 =	vlt.s32 v21, v52  }
0x198: {  	v55 =	vld [tilespmem:$0x1890];
	v54 =	vnsel vm10, $0x40000000, v15;
	v21 =	vsel vm9, v21, v52  }
0x199: {  	vm10 =	veq.f32 v51, v20;
	vm9 =	vlt.s32 v21, v54  }
0x19a: {  	v57 =	vld [tilespmem:$0x18A0];
	v56 =	vnsel vm10, $0x40000000, v16;
	v21 =	vsel vm9, v21, v54  }
0x19b: {  	vm10 =	veq.f32 v53, v20;
	vm9 =	vlt.s32 v21, v56  }
0x19c: {  	v58 =	vnsel vm10, $0x40000000, v17;
	v21 =	vsel vm9, v21, v56  }
0x19d: {  	vm10 =	veq.f32 v55, v20;
	vm9 =	vlt.s32 v21, v58  }
0x19e: {  	v59 =	vnsel vm10, $0x40000000, v18;
	v21 =	vsel vm9, v21, v58  }
0x19f: {  	vm10 =	veq.f32 v57, v20;
	vm9 =	vlt.s32 v21, v59  }
0x1a0: {  	v60 =	vnsel vm10, $0x40000000, v19;
	v21 =	vsel vm9, v21, v59  }
0x1a1: {  	vm9 =	vlt.s32 v21, v60  }
0x1a2: {  	v21 =	vsel vm9, v21, v60  }
0x1a3: {  	v22 =	vperm.xlane v21, v0;
	_ =	sdelay $0x1  }
0x1a4: {  	vm9 =	vlt.s32 v21, v22  }
0x1a5: {  	v21 =	vsel vm9, v21, v22  }
0x1a6: {  	v22 =	vperm.xlane v21, v1;
	_ =	sdelay $0x1  }
0x1a7: {  	vm9 =	vlt.s32 v21, v22  }
0x1a8: {  	v21 =	vsel vm9, v21, v22  }
0x1a9: {  	v22 =	vperm.xlane v21, v2;
	_ =	sdelay $0x1  }
0x1aa: {  	vm9 =	vlt.s32 v21, v22  }
0x1ab: {  	v21 =	vsel vm9, v21, v22  }
0x1ac: {  	v22 =	vperm.xlane v21, v3;
	_ =	sdelay $0x1  }
0x1ad: {  	vm9 =	vlt.s32 v21, v22  }
0x1ae: {  	v21 =	vsel vm9, v21, v22;
	_ =	sdelay $0x4  }
0x1af: {  	v22 =	vld.idx.msk [tilespmem:v21+s3+$0x0], $0xffff  }
0x1b0: {  	v61 =	vld.idx.msk [tilespmem:v21+s13+$0x0], $0xffff  }
0x1b1: {  	v62 =	vld.idx.msk [tilespmem:v21+s14+$0x0], $0xffff  }
0x1b2: {  	v63 =	vld.idx.msk [tilespmem:v21+s15+$0x0], $0xffff  }
0x1b3: {  	v21 =	vld.idx.msk [tilespmem:v21+s17+$0x0], $0xffff  }
0x1b4: {  	v20 =	vsel vm0, v20, v22  }
0x1b5: {  	v20 =	vsel vm1, v20, v61  }
0x1b6: {  	v20 =	vsel vm2, v20, v62  }
0x1b7: {  	s25 =	ssub.s32 s10, s25;
	v20 =	vsel vm3, v20, v63  }
0x1b8: {  	s25 =	sadd.s32 s25, s1;
	v20 =	vsel vm4, v20, v21  }
0x1b9: {  	s25 =	sadd.s32 $0x100, s25;
	[tilespmem:$0x1DA0] =	vst v20  }
0x1ba: {  	[spmem:s25] =	stream.linear.scatter [tilespmem:s19], [sflag:$0x2], $0x10, $0x38;
	[tilespmem:$0x2510] =	vst v63  }
.Ltmp10:
0x1bb: {  	_ =	swait.ge [sflag:s20], $0x10;
	(pc) =	sbr.rel .LBB2_6-.Ltmp10, $4  }
0x1bc: {  	[sflag:s20] =	ssyncset.done $0x0  }
0x1bd: {  	[sflag:s20] =	ssyncadd.s32 $0xFFFFFFF0  }
0x1be: {  	[bflag:$0x0] =	sbarrier.arrive $0xFFFF  }
0x1bf: {  	s24 =	sadd.s32 $0x1, s24  }
.LBB2_10:
0x1c0: {  	_ =	sfence.sel $0x180000  }
0x1c1: {  	[bflag:$0x0] =	sbarrier.arrive $0xFFFF  }
0x1c2: {  	p0 =	sne.s32 s2, $0x0;
	_ =	strace $0x90000047  }
0x1c3: {  	s0 =	sadd.s32 @!p0 $0x100000, s0;
	[bflag:$0x2] =	sbarrier.arrive $0xFFFF  }
0x1c4: {  	[sflag:s0] =	ssyncadd.tile.s32 @!p0 $0x1;
	_ =	shalt  }
.Lfunc_end2:
_tile_overlayer_lowered:
.L_overlay_start_2:
0x1c5: {  	(tag) =	ssettag $0x2  }
0x1c6: {  	s0 =	rddreg [dreg:$0x0];
	s2 =	stileid.u32  }
0x1c7: {  	s1 =	rddreg [dreg:$0x1];
	p0 =	sne.s32 s2, $0x0  }
0x1c8: {  	s3 =	rddreg [dreg:$0x2];
	[bflag:$0x3] =	sbarrier.arrive $0xFFFF;
	s2 =	simm.s32 @!p0 $0x1C02  }
0x1c9: {  	[timem:s3], [sflag:s2] =	dma.local @!p0 [hbm:s0], s1  }
0x1ca: {  	s0 =	simm.s32 @!p0 $0x2  }
0x1cb: {  	_ =	swait.ge @!p0 [sflag:s0], s1  }
0x1cc: {  	s1 =	ssub.s32 @!p0 $0x0, s1;
	[sflag:s0] =	ssyncset.done @!p0 $0x0  }
0x1cd: {  	[sflag:s0] =	ssyncadd.s32 @!p0 s1  }
0x1ce: {  	[bflag:$0x3] =	sbarrier.arrive $0xFFFF  }
0x1cf: {  	_ =	shalt  }

</sc_bundles>
